<compile_context>
chip_gen: v7x
topology: tpu7x:2x2x1
jax: 0.10.2.dev20260603
libtpu: 0.0.44.dev20260713+nightly
codegen_flags: <defaults>
</compile_context>

<pallas_src>
import functools

import jax
import jax.numpy as jnp
from jax import lax
from jax.experimental import pallas as pl
from jax.experimental.pallas import tpu as pltpu
from jax.experimental.pallas import tpu_sc as plsc

N = 1048576
X_LIM, Y_LIM, Z_LIM = 511, 511, 255

NC, NS = 2, 16
NW = NC * NS
PW = N // NW
S = 8192
NSUB = PW // S
VPC = S // 16
C = 512

_mesh = plsc.VectorSubcoreMesh(core_axis_name="c", subcore_axis_name="s")


@functools.partial(
    pl.kernel,
    mesh=_mesh,
    compiler_params=pltpu.CompilerParams(needs_layout_passes=False),
    out_type=jax.ShapeDtypeStruct((4 * N,), jnp.float32),
    scratch_types=[
        pltpu.VMEM((S,), jnp.float32),
        pltpu.VMEM((S,), jnp.float32),
        pltpu.VMEM((S,), jnp.float32),
        pltpu.VMEM((S + 16,), jnp.int32),
        pltpu.VMEM((S + 16,), jnp.int32),
        pltpu.VMEM((S,), jnp.float32),
        pltpu.VMEM((4 * S,), jnp.float32),
        pltpu.SemaphoreType.DMA,
        pltpu.SemaphoreType.DMA,
        pltpu.SemaphoreType.DMA,
    ],
)
def _ct_gather(xyz_hbm, img_hbm, out_hbm, x_v, y_v, z_v, cidx_v, cpos_v,
               sig_v, out_v, sem, sem_in, sem_out):
    wid = lax.axis_index("s") * NC + lax.axis_index("c")
    iota = lax.iota(jnp.int32, 16)
    ones16 = jnp.full((16,), 1.0, jnp.float32)
    zeros16 = jnp.full((16,), 0.0, jnp.float32)
    zeros16i = jnp.full((16,), 0, jnp.int32)
    base = wid * PW

    def _fill(g, c):
        out_v[pl.ds(g * 16, 16)] = ones16
        return c
    lax.fori_loop(0, (4 * S) // 16, _fill, 0)

    def _fill0(g, c):
        cidx_v[pl.ds(g * 16, 16)] = zeros16i
        return c
    lax.fori_loop(0, (S + 16) // 16, _fill0, 0)

    def _sub(sub, c):
        sbase = base + sub * S
        pltpu.async_copy(xyz_hbm.at[pl.ds(sbase, S)], x_v, sem_in)
        pltpu.async_copy(xyz_hbm.at[pl.ds(N + sbase, S)], y_v, sem_in)
        pltpu.async_copy(xyz_hbm.at[pl.ds(2 * N + sbase, S)], z_v, sem_in)
        pltpu.make_async_copy(xyz_hbm.at[pl.ds(sbase, S)], x_v, sem_in).wait()
        pltpu.make_async_copy(xyz_hbm.at[pl.ds(N + sbase, S)], y_v,
                              sem_in).wait()
        pltpu.make_async_copy(xyz_hbm.at[pl.ds(2 * N + sbase, S)], z_v,
                              sem_in).wait()

        @plsc.parallel_loop(0, VPC, unroll=4,
                            carry=jnp.zeros((16,), jnp.int32))
        def _comp(g, off_vec):
            x = x_v[pl.ds(g * 16, 16)]
            y = y_v[pl.ds(g * 16, 16)]
            z = z_v[pl.ds(g * 16, 16)]
            ix = ((x + 1.0) * 255.5).astype(jnp.int32)
            iy = ((y + 1.0) * 255.5).astype(jnp.int32)
            iz = ((z + 1.0) * 127.5).astype(jnp.int32)
            good = ((ix.astype(jnp.uint32) <= X_LIM)
                    & (iy.astype(jnp.uint32) <= Y_LIM)
                    & (iz.astype(jnp.uint32) <= Z_LIM))
            phys = ((ix << 17) + ((iy >> 3) << 11) + ((iz >> 7) << 10)
                    + ((iy & 7) << 7) + (iz & 127))
            goodi = good.astype(jnp.int32)
            rank = jnp.cumsum(goodi) - goodi
            addr = off_vec + rank
            plsc.store_scatter(cidx_v, [addr], phys, mask=good)
            plsc.store_scatter(cpos_v, [addr], g * 16 + iota, mask=good)
            return off_vec + plsc.all_reduce_population_count(good)
        n_valid = jnp.max(_comp)

        @pl.when(sub > 0)
        def _():
            pltpu.make_async_copy(
                out_v, out_hbm.at[pl.ds(4 * (sbase - S), 4 * S)],
                sem_out).wait()

        @plsc.parallel_loop(0, VPC, unroll=4)
        def _zero(g):
            b = g * 16
            out_v[pl.ds((b >> 7) * 512 + 384 + (b & 127), 16)] = zeros16

        nch = (n_valid + (C - 1)) // C

        def _fire(j, cc):
            pltpu.async_copy(img_hbm.at[cidx_v.at[pl.ds(j * C, C)]],
                             sig_v.at[pl.ds(j * C, C)], sem)
            return cc
        lax.fori_loop(0, nch, _fire, 0)

        def _drain(j, cc):
            pltpu.make_async_copy(img_hbm.at[cidx_v.at[pl.ds(j * C, C)]],
                                  sig_v.at[pl.ds(j * C, C)], sem).wait()
            return cc
        lax.fori_loop(0, nch, _drain, 0)

        nvec = (n_valid + 15) >> 4

        @plsc.parallel_loop(0, nvec, unroll=2)
        def _outp(g):
            sv = sig_v[pl.ds(g * 16, 16)]
            pos = cpos_v[pl.ds(g * 16, 16)]
            slot = ((pos >> 7) << 9) + 384 + (pos & 127)
            ok = (g * 16 + iota) < n_valid
            plsc.store_scatter(out_v, [slot], sv, mask=ok)

        pltpu.async_copy(out_v, out_hbm.at[pl.ds(4 * sbase, 4 * S)], sem_out)
        return c
    lax.fori_loop(0, NSUB, _sub, 0)
    pltpu.make_async_copy(
        out_v, out_hbm.at[pl.ds(4 * (base + (NSUB - 1) * S), 4 * S)],
        sem_out).wait()


def kernel(xyz, img):
    xyz_planar = jnp.transpose(xyz, (2, 0, 1)).reshape(3 * N)
    img_tiled = (img.reshape(512, 64, 8, 2, 128)
                 .transpose(0, 1, 3, 2, 4).reshape(64 * N))
    out = _ct_gather(xyz_planar, img_tiled)
    return out.reshape(N // 128, 4, 128).transpose(0, 2, 1).reshape(1, N, 4)

# --- scband reference (transcript-rebuilt; emitter-appended) ---
"""Pipeline reference for scband-ctimage-74981539053929 (READ-ONLY COPY).

The authoritative reference and input builder live on the scoring server;
editing this copy changes nothing except your own understanding.
"""

import jax, jax.numpy as jnp
import numpy as np

X_LIM, Y_LIM, Z_LIM = 511, 511, 255


def setup_inputs(seed: int = 0) -> dict:
    key = jax.random.key(seed)
    k1, k2 = jax.random.split(key)
    img = jax.random.uniform(k1, (512, 512, 256), dtype=jnp.float32, minval=0.0, maxval=3000.0)
    # __init__: clamp(800, 2000) then min-max normalize
    img = jnp.clip(img, 800.0, 2000.0)
    denom = img.max() - img.min()
    img = (img - img.min()) / denom
    xyz = jax.random.normal(k2, (1, 1048576, 3), dtype=jnp.float32)
    return {"xyz": xyz, "img": img}


def reference(xyz, img):
    pts = jnp.squeeze(xyz, 0)
    pts = (pts + 1.0) / 2.0
    lims = jnp.array([X_LIM, Y_LIM, Z_LIM], dtype=pts.dtype)
    pts = pts * lims
    idx = pts.astype(jnp.int32).T  # [3, N]
    mask = (idx[0, :] < 0) | (idx[1, :] < 0) | (idx[2, :] < 0) | (idx[0, :] > X_LIM) | (idx[1, :] > Y_LIM) | (idx[2, :] > Z_LIM)
    idx = jnp.where(mask[None, :], 0, idx)
    sigma = img[idx[0], idx[1], idx[2]]
    sigma = jnp.where(mask, 0.0, sigma)
    sigma = sigma.reshape(1, -1, 1)
    rgb = jnp.ones((sigma.shape[0], sigma.shape[1], 3), dtype=sigma.dtype)
    return jnp.concatenate((rgb, sigma), axis=-1)

if __name__ == "__main__":
    import jax
    _d = setup_inputs()
    print(jax.jit(kernel)(*tuple(_d.values())))

</pallas_src>

<mosaic_0001>
#map = affine_map<(d0, d1) -> (0)>
module attributes {stable_mosaic.version = 14 : i64} {
  func.func @_ct_gather(%arg0: i32, %arg1: i32, %arg2: memref<3145728xf32, #tpu.memory_space<hbm>>, %arg3: memref<67108864xf32, #tpu.memory_space<hbm>>, %arg4: memref<4194304xf32, #tpu.memory_space<hbm>>, %arg5: memref<8192xf32, #tpu.memory_space<vmem>>, %arg6: memref<8192xf32, #tpu.memory_space<vmem>>, %arg7: memref<8192xf32, #tpu.memory_space<vmem>>, %arg8: memref<8208xi32, #tpu.memory_space<vmem>>, %arg9: memref<8208xi32, #tpu.memory_space<vmem>>, %arg10: memref<8192xf32, #tpu.memory_space<vmem>>, %arg11: memref<32768xf32, #tpu.memory_space<vmem>>, %arg12: memref<!tpu.dma_semaphore, #tpu.memory_space<semaphore_mem>>, %arg13: memref<!tpu.dma_semaphore, #tpu.memory_space<semaphore_mem>>, %arg14: memref<!tpu.dma_semaphore, #tpu.memory_space<semaphore_mem>>) attributes {dimension_semantics = [#tpu.dimension_semantics<core_parallel>, #tpu.dimension_semantics<subcore_parallel>], iteration_bounds = array<i64: 2, 16>, scalar_prefetch = 0 : i64, scratch_operands = 10 : i64, tpu.core_type = #tpu.core_type<sc_vector_subcore>, window_params = [{transform_indices = #map}, {transform_indices = #map}, {transform_indices = #map}]} {
    %mul3A = arith.constant 2 : i32
    %mul3A_0 = arith.muli %arg1, %mul3A : i32
    %add3A = arith.addi %mul3A_0, %arg0 : i32
    %iota3A = tpu.iota {dimensions = array<i32: 0>} : vector<16xi32>
    %broadcast_in_dim3A = arith.constant 1.000000e+00 : f32
    %broadcast_in_dim3A_1 = vector.broadcast %broadcast_in_dim3A : f32 to vector<16xf32>
    %broadcast_in_dim3A_2 = arith.constant 0.000000e+00 : f32
    %broadcast_in_dim3A_3 = vector.broadcast %broadcast_in_dim3A_2 : f32 to vector<16xf32>
    %broadcast_in_dim3A_4 = arith.constant 0 : i32
    %broadcast_in_dim3A_5 = vector.broadcast %broadcast_in_dim3A_4 : i32 to vector<16xi32>
    %mul3A_6 = arith.constant 32768 : i32
    %mul3A_7 = arith.muli %add3A, %mul3A_6 : i32
    %scan3A = arith.constant 0 : i32
    %scan3A_8 = arith.constant 0 : i32
    %scan3A_9 = arith.constant 2048 : i32
    %scan3A_10 = arith.addi %scan3A_8, %scan3A_9 : i32
    %scan3A_11 = arith.constant 1 : i32
    scf.for %scan3A_30 = %scan3A_8 to %scan3A_10 step %scan3A_11  : i32 {
      %mul3A_31 = arith.constant 16 : i32
      %mul3A_32 = arith.muli %scan3A_30, %mul3A_31 : i32
      %swap3A = arith.index_cast %mul3A_32 : i32 to index
      %swap3A_33 = tpu.vector_load %arg11[%swap3A] {strides = array<i32>} : memref<32768xf32, #tpu.memory_space<vmem>>, vector<16xf32>,
      tpu.vector_store %arg11[%swap3A], %broadcast_in_dim3A_1 {strides = array<i32>} : memref<32768xf32, #tpu.memory_space<vmem>>, vector<16xf32>,
    }
    %scan3A_12 = arith.constant 2048 : i32
    %scan3A_13 = arith.constant 0 : i32
    %scan3A_14 = arith.constant 0 : i32
    %scan3A_15 = arith.constant 513 : i32
    %scan3A_16 = arith.addi %scan3A_14, %scan3A_15 : i32
    %scan3A_17 = arith.constant 1 : i32
    scf.for %scan3A_30 = %scan3A_14 to %scan3A_16 step %scan3A_17  : i32 {
      %mul3A_31 = arith.constant 16 : i32
      %mul3A_32 = arith.muli %scan3A_30, %mul3A_31 : i32
      %swap3A = arith.index_cast %mul3A_32 : i32 to index
      %swap3A_33 = tpu.vector_load %arg8[%swap3A] {strides = array<i32>} : memref<8208xi32, #tpu.memory_space<vmem>>, vector<16xi32>,
      tpu.vector_store %arg8[%swap3A], %broadcast_in_dim3A_5 {strides = array<i32>} : memref<8208xi32, #tpu.memory_space<vmem>>, vector<16xi32>,
    }
    %scan3A_18 = arith.constant 513 : i32
    %scan3A_19 = arith.constant 0 : i32
    %scan3A_20 = arith.constant 0 : i32
    %scan3A_21 = arith.constant 4 : i32
    %scan3A_22 = arith.addi %scan3A_20, %scan3A_21 : i32
    %scan3A_23 = arith.constant 1 : i32
    scf.for %scan3A_30 = %scan3A_20 to %scan3A_22 step %scan3A_23  : i32 {
      %mul3A_31 = arith.constant 8192 : i32
      %mul3A_32 = arith.muli %scan3A_30, %mul3A_31 : i32
      %add3A_33 = arith.addi %mul3A_7, %mul3A_32 : i32
      %dma_start3A = tpu.memref_slice %arg2[%add3A_33] : memref<3145728xf32, #tpu.memory_space<hbm>> -> memref<8192xf32, #tpu.memory_space<hbm>>
      %dma_start3A_34 = tpu.memref_slice %arg2[%add3A_33] : memref<3145728xf32, #tpu.memory_space<hbm>> -> memref<8192xf32, #tpu.memory_space<hbm>>
      tpu.enqueue_dma source(%dma_start3A_34 : memref<8192xf32, #tpu.memory_space<hbm>>) target(%arg5 : memref<8192xf32, #tpu.memory_space<vmem>>) target_semaphore(%arg13 : memref<!tpu.dma_semaphore, #tpu.memory_space<semaphore_mem>>)
      %add3A_35 = arith.constant 1048576 : i32
      %add3A_36 = arith.addi %add3A_35, %add3A_33 : i32
      %dma_start3A_37 = tpu.memref_slice %arg2[%add3A_36] : memref<3145728xf32, #tpu.memory_space<hbm>> -> memref<8192xf32, #tpu.memory_space<hbm>>
      %dma_start3A_38 = tpu.memref_slice %arg2[%add3A_36] : memref<3145728xf32, #tpu.memory_space<hbm>> -> memref<8192xf32, #tpu.memory_space<hbm>>
      tpu.enqueue_dma source(%dma_start3A_38 : memref<8192xf32, #tpu.memory_space<hbm>>) target(%arg6 : memref<8192xf32, #tpu.memory_space<vmem>>) target_semaphore(%arg13 : memref<!tpu.dma_semaphore, #tpu.memory_space<semaphore_mem>>)
      %add3A_39 = arith.constant 2097152 : i32
      %add3A_40 = arith.addi %add3A_39, %add3A_33 : i32
      %dma_start3A_41 = tpu.memref_slice %arg2[%add3A_40] : memref<3145728xf32, #tpu.memory_space<hbm>> -> memref<8192xf32, #tpu.memory_space<hbm>>
      %dma_start3A_42 = tpu.memref_slice %arg2[%add3A_40] : memref<3145728xf32, #tpu.memory_space<hbm>> -> memref<8192xf32, #tpu.memory_space<hbm>>
      tpu.enqueue_dma source(%dma_start3A_42 : memref<8192xf32, #tpu.memory_space<hbm>>) target(%arg7 : memref<8192xf32, #tpu.memory_space<vmem>>) target_semaphore(%arg13 : memref<!tpu.dma_semaphore, #tpu.memory_space<semaphore_mem>>)
      %dma_wait3A_43 = tpu.memref_slice %arg2[%add3A_33] : memref<3145728xf32, #tpu.memory_space<hbm>> -> memref<8192xf32, #tpu.memory_space<hbm>>
      %dma_wait3A_44 = tpu.memref_slice %arg2[%add3A_33] : memref<3145728xf32, #tpu.memory_space<hbm>> -> memref<8192xf32, #tpu.memory_space<hbm>>
      tpu.wait_dma2 semaphore(%arg13 : memref<!tpu.dma_semaphore, #tpu.memory_space<semaphore_mem>>) src(%dma_wait3A_44 : memref<8192xf32, #tpu.memory_space<hbm>>) dst(%arg5 : memref<8192xf32, #tpu.memory_space<vmem>>)
      %add3A_45 = arith.constant 1048576 : i32
      %add3A_46 = arith.addi %add3A_45, %add3A_33 : i32
      %dma_wait3A_47 = tpu.memref_slice %arg2[%add3A_46] : memref<3145728xf32, #tpu.memory_space<hbm>> -> memref<8192xf32, #tpu.memory_space<hbm>>
      %dma_wait3A_48 = tpu.memref_slice %arg2[%add3A_46] : memref<3145728xf32, #tpu.memory_space<hbm>> -> memref<8192xf32, #tpu.memory_space<hbm>>
      tpu.wait_dma2 semaphore(%arg13 : memref<!tpu.dma_semaphore, #tpu.memory_space<semaphore_mem>>) src(%dma_wait3A_48 : memref<8192xf32, #tpu.memory_space<hbm>>) dst(%arg6 : memref<8192xf32, #tpu.memory_space<vmem>>)
      %add3A_49 = arith.constant 2097152 : i32
      %add3A_50 = arith.addi %add3A_49, %add3A_33 : i32
      %dma_wait3A_51 = tpu.memref_slice %arg2[%add3A_50] : memref<3145728xf32, #tpu.memory_space<hbm>> -> memref<8192xf32, #tpu.memory_space<hbm>>
      %dma_wait3A_52 = tpu.memref_slice %arg2[%add3A_50] : memref<3145728xf32, #tpu.memory_space<hbm>> -> memref<8192xf32, #tpu.memory_space<hbm>>
      tpu.wait_dma2 semaphore(%arg13 : memref<!tpu.dma_semaphore, #tpu.memory_space<semaphore_mem>>) src(%dma_wait3A_52 : memref<8192xf32, #tpu.memory_space<hbm>>) dst(%arg7 : memref<8192xf32, #tpu.memory_space<vmem>>)
      %broadcast_in_dim3A_53 = arith.constant 0 : i32
      %broadcast_in_dim3A_54 = vector.broadcast %broadcast_in_dim3A_53 : i32 to vector<16xi32>
      %parallel_loop3A = arith.constant 0 : i32
      %parallel_loop3A_55 = arith.constant 512 : i32
      %parallel_loop3A_56 = arith.constant 1 : i32
      %parallel_loop3A_57 = scf.for %parallel_loop3A_116 = %parallel_loop3A to %parallel_loop3A_55 step %parallel_loop3A_56 iter_args(%parallel_loop3A_117 = %broadcast_in_dim3A_54) -> (vector<16xi32>)  : i32 {
        %parallel_loop3A_118 = arith.constant 16 : i32
        %parallel_loop3A_119 = arith.muli %parallel_loop3A_116, %parallel_loop3A_118 : i32
        %parallel_loop3A_120 = arith.index_cast %parallel_loop3A_119 : i32 to index
        %parallel_loop3A_121 = tpu.vector_load %arg5[%parallel_loop3A_120] {strides = array<i32>} : memref<8192xf32, #tpu.memory_space<vmem>>, vector<16xf32>,
        %parallel_loop3A_122 = arith.constant 16 : i32
        %parallel_loop3A_123 = arith.muli %parallel_loop3A_116, %parallel_loop3A_122 : i32
        %parallel_loop3A_124 = arith.index_cast %parallel_loop3A_123 : i32 to index
        %parallel_loop3A_125 = tpu.vector_load %arg6[%parallel_loop3A_124] {strides = array<i32>} : memref<8192xf32, #tpu.memory_space<vmem>>, vector<16xf32>,
        %parallel_loop3A_126 = arith.constant 16 : i32
        %parallel_loop3A_127 = arith.muli %parallel_loop3A_116, %parallel_loop3A_126 : i32
        %parallel_loop3A_128 = arith.index_cast %parallel_loop3A_127 : i32 to index
        %parallel_loop3A_129 = tpu.vector_load %arg7[%parallel_loop3A_128] {strides = array<i32>} : memref<8192xf32, #tpu.memory_space<vmem>>, vector<16xf32>,
        %parallel_loop3A_130 = arith.constant 1.000000e+00 : f32
        %parallel_loop3A_131 = vector.broadcast %parallel_loop3A_130 : f32 to vector<16xf32>
        %parallel_loop3A_132 = arith.addf %parallel_loop3A_121, %parallel_loop3A_131 : vector<16xf32>
        %parallel_loop3A_133 = arith.constant 2.555000e+02 : f32
        %parallel_loop3A_134 = vector.broadcast %parallel_loop3A_133 : f32 to vector<16xf32>
        %parallel_loop3A_135 = arith.mulf %parallel_loop3A_132, %parallel_loop3A_134 : vector<16xf32>
        %parallel_loop3A_136 = arith.fptosi %parallel_loop3A_135 : vector<16xf32> to vector<16xi32>
        %parallel_loop3A_137 = arith.constant 1.000000e+00 : f32
        %parallel_loop3A_138 = vector.broadcast %parallel_loop3A_137 : f32 to vector<16xf32>
        %parallel_loop3A_139 = arith.addf %parallel_loop3A_125, %parallel_loop3A_138 : vector<16xf32>
        %parallel_loop3A_140 = arith.constant 2.555000e+02 : f32
        %parallel_loop3A_141 = vector.broadcast %parallel_loop3A_140 : f32 to vector<16xf32>
        %parallel_loop3A_142 = arith.mulf %parallel_loop3A_139, %parallel_loop3A_141 : vector<16xf32>
        %parallel_loop3A_143 = arith.fptosi %parallel_loop3A_142 : vector<16xf32> to vector<16xi32>
        %parallel_loop3A_144 = arith.constant 1.000000e+00 : f32
        %parallel_loop3A_145 = vector.broadcast %parallel_loop3A_144 : f32 to vector<16xf32>
        %parallel_loop3A_146 = arith.addf %parallel_loop3A_129, %parallel_loop3A_145 : vector<16xf32>
        %parallel_loop3A_147 = arith.constant 1.275000e+02 : f32
        %parallel_loop3A_148 = vector.broadcast %parallel_loop3A_147 : f32 to vector<16xf32>
        %parallel_loop3A_149 = arith.mulf %parallel_loop3A_146, %parallel_loop3A_148 : vector<16xf32>
        %parallel_loop3A_150 = arith.fptosi %parallel_loop3A_149 : vector<16xf32> to vector<16xi32>
        %parallel_loop3A_151 = arith.constant 511 : i32
        %parallel_loop3A_152 = vector.broadcast %parallel_loop3A_151 : i32 to vector<16xi32>
        %parallel_loop3A_153 = arith.cmpi ule, %parallel_loop3A_136, %parallel_loop3A_152 : vector<16xi32>
        %parallel_loop3A_154 = arith.constant 511 : i32
        %parallel_loop3A_155 = vector.broadcast %parallel_loop3A_154 : i32 to vector<16xi32>
        %parallel_loop3A_156 = arith.cmpi ule, %parallel_loop3A_143, %parallel_loop3A_155 : vector<16xi32>
        %parallel_loop3A_157 = arith.andi %parallel_loop3A_153, %parallel_loop3A_156 : vector<16xi1>
        %parallel_loop3A_158 = arith.constant 255 : i32
        %parallel_loop3A_159 = vector.broadcast %parallel_loop3A_158 : i32 to vector<16xi32>
        %parallel_loop3A_160 = arith.cmpi ule, %parallel_loop3A_150, %parallel_loop3A_159 : vector<16xi32>
        %parallel_loop3A_161 = arith.andi %parallel_loop3A_157, %parallel_loop3A_160 : vector<16xi1>
        %parallel_loop3A_162 = arith.constant 17 : i32
        %parallel_loop3A_163 = vector.broadcast %parallel_loop3A_162 : i32 to vector<16xi32>
        %parallel_loop3A_164 = arith.shli %parallel_loop3A_136, %parallel_loop3A_163 : vector<16xi32>
        %parallel_loop3A_165 = arith.constant 3 : i32
        %parallel_loop3A_166 = vector.broadcast %parallel_loop3A_165 : i32 to vector<16xi32>
        %parallel_loop3A_167 = arith.shrsi %parallel_loop3A_143, %parallel_loop3A_166 : vector<16xi32>
        %parallel_loop3A_168 = arith.constant 11 : i32
        %parallel_loop3A_169 = vector.broadcast %parallel_loop3A_168 : i32 to vector<16xi32>
        %parallel_loop3A_170 = arith.shli %parallel_loop3A_167, %parallel_loop3A_169 : vector<16xi32>
        %parallel_loop3A_171 = arith.addi %parallel_loop3A_164, %parallel_loop3A_170 : vector<16xi32>
        %parallel_loop3A_172 = arith.constant 7 : i32
        %parallel_loop3A_173 = vector.broadcast %parallel_loop3A_172 : i32 to vector<16xi32>
        %parallel_loop3A_174 = arith.shrsi %parallel_loop3A_150, %parallel_loop3A_173 : vector<16xi32>
        %parallel_loop3A_175 = arith.constant 10 : i32
        %parallel_loop3A_176 = vector.broadcast %parallel_loop3A_175 : i32 to vector<16xi32>
        %parallel_loop3A_177 = arith.shli %parallel_loop3A_174, %parallel_loop3A_176 : vector<16xi32>
        %parallel_loop3A_178 = arith.addi %parallel_loop3A_171, %parallel_loop3A_177 : vector<16xi32>
        %parallel_loop3A_179 = arith.constant 7 : i32
        %parallel_loop3A_180 = vector.broadcast %parallel_loop3A_179 : i32 to vector<16xi32>
        %parallel_loop3A_181 = arith.andi %parallel_loop3A_143, %parallel_loop3A_180 : vector<16xi32>
        %parallel_loop3A_182 = arith.constant 7 : i32
        %parallel_loop3A_183 = vector.broadcast %parallel_loop3A_182 : i32 to vector<16xi32>
        %parallel_loop3A_184 = arith.shli %parallel_loop3A_181, %parallel_loop3A_183 : vector<16xi32>
        %parallel_loop3A_185 = arith.addi %parallel_loop3A_178, %parallel_loop3A_184 : vector<16xi32>
        %parallel_loop3A_186 = arith.constant 127 : i32
        %parallel_loop3A_187 = vector.broadcast %parallel_loop3A_186 : i32 to vector<16xi32>
        %parallel_loop3A_188 = arith.andi %parallel_loop3A_150, %parallel_loop3A_187 : vector<16xi32>
        %parallel_loop3A_189 = arith.addi %parallel_loop3A_185, %parallel_loop3A_188 : vector<16xi32>
        %parallel_loop3A_190 = arith.extui %parallel_loop3A_161 : vector<16xi1> to vector<16xi32>
        %parallel_loop3A_191 = arith.constant true
        %parallel_loop3A_192 = vector.broadcast %parallel_loop3A_191 : i1 to vector<16xi1>
        %parallel_loop3A_193 = tpu.scan <sum>, %parallel_loop3A_190 masked %parallel_loop3A_192 : vector<16xi32>, vector<16xi1> -> vector<16xi32>
        %parallel_loop3A_194 = arith.subi %parallel_loop3A_193, %parallel_loop3A_190 : vector<16xi32>
        %parallel_loop3A_195 = arith.addi %parallel_loop3A_117, %parallel_loop3A_194 : vector<16xi32>
        tpu.vector_store_idx %arg8[%parallel_loop3A_195], %parallel_loop3A_189 masked %parallel_loop3A_161 : memref<8208xi32, #tpu.memory_space<vmem>>[vector<16xi32>], vector<16xi32>, vector<16xi1>
        %parallel_loop3A_196 = arith.constant 16 : i32
        %parallel_loop3A_197 = arith.muli %parallel_loop3A_116, %parallel_loop3A_196 : i32
        %parallel_loop3A_198 = vector.broadcast %parallel_loop3A_197 : i32 to vector<16xi32>
        %parallel_loop3A_199 = arith.addi %parallel_loop3A_198, %iota3A : vector<16xi32>
        tpu.vector_store_idx %arg9[%parallel_loop3A_195], %parallel_loop3A_199 masked %parallel_loop3A_161 : memref<8208xi32, #tpu.memory_space<vmem>>[vector<16xi32>], vector<16xi32>, vector<16xi1>
        %parallel_loop3A_200 = tpu.all_reduce %parallel_loop3A_161 {dim = 0 : i64, kind = #tpu.reduction_kind<sum>} : vector<16xi1> -> vector<16xi32>
        %parallel_loop3A_201 = arith.addi %parallel_loop3A_117, %parallel_loop3A_200 : vector<16xi32>
        scf.yield %parallel_loop3A_201 : vector<16xi32>
      } {sc.loop_unroll_factor = 4 : i64, sc.parallel_access}
      %reduce_max3A = arith.constant true
      %reduce_max3A_58 = vector.broadcast %reduce_max3A : i1 to vector<16xi1>
      %reduce_max3A_59 = arith.constant -2147483648 : i32
      %reduce_max3A_60 = vector.broadcast %reduce_max3A_59 : i32 to vector<16xi32>
      %reduce_max3A_61 = arith.xori %parallel_loop3A_57, %reduce_max3A_60 : vector<16xi32>
      %reduce_max3A_62 = tpu.scan <max>, %reduce_max3A_61 masked %reduce_max3A_58 : vector<16xi32>, vector<16xi1> -> vector<16xi32>
      %reduce_max3A_63 = arith.xori %reduce_max3A_62, %reduce_max3A_60 : vector<16xi32>
      %reduce_max3A_64 = vector.extract %reduce_max3A_63[15] : i32 from vector<16xi32>
      %gt3A = arith.constant 0 : i32
      %gt3A_65 = arith.cmpi sgt, %scan3A_30, %gt3A : i32
      %convert_element_type3A = arith.extui %gt3A_65 : i1 to i32
      %cond3A = arith.constant 0 : i32
      %cond3A_66 = arith.cmpi ne, %convert_element_type3A, %cond3A : i32
      scf.if %cond3A_66 {
        %sub3A_116 = arith.constant 8192 : i32
        %sub3A_117 = arith.subi %add3A_33, %sub3A_116 : i32
        %mul3A_118 = arith.constant 4 : i32
        %mul3A_119 = arith.muli %mul3A_118, %sub3A_117 : i32
        %dma_wait3A_120 = tpu.memref_slice %arg4[%mul3A_119] : memref<4194304xf32, #tpu.memory_space<hbm>> -> memref<32768xf32, #tpu.memory_space<hbm>>
        %dma_wait3A_121 = tpu.memref_slice %arg4[%mul3A_119] : memref<4194304xf32, #tpu.memory_space<hbm>> -> memref<32768xf32, #tpu.memory_space<hbm>>
        tpu.wait_dma2 semaphore(%arg14 : memref<!tpu.dma_semaphore, #tpu.memory_space<semaphore_mem>>) src(%arg11 : memref<32768xf32, #tpu.memory_space<vmem>>) dst(%dma_wait3A_121 : memref<32768xf32, #tpu.memory_space<hbm>>)
      } else {
      }
      %parallel_loop3A_67 = arith.constant 0 : i32
      %parallel_loop3A_68 = arith.constant 512 : i32
      %parallel_loop3A_69 = arith.constant 1 : i32
      scf.for %parallel_loop3A_116 = %parallel_loop3A_67 to %parallel_loop3A_68 step %parallel_loop3A_69  : i32 {
        %parallel_loop3A_117 = arith.constant 16 : i32
        %parallel_loop3A_118 = arith.muli %parallel_loop3A_116, %parallel_loop3A_117 : i32
        %parallel_loop3A_119 = arith.constant 7 : i32
        %parallel_loop3A_120 = arith.shrsi %parallel_loop3A_118, %parallel_loop3A_119 : i32
        %parallel_loop3A_121 = arith.constant 512 : i32
        %parallel_loop3A_122 = arith.muli %parallel_loop3A_120, %parallel_loop3A_121 : i32
        %parallel_loop3A_123 = arith.constant 384 : i32
        %parallel_loop3A_124 = arith.addi %parallel_loop3A_122, %parallel_loop3A_123 : i32
        %parallel_loop3A_125 = arith.constant 127 : i32
        %parallel_loop3A_126 = arith.andi %parallel_loop3A_118, %parallel_loop3A_125 : i32
        %parallel_loop3A_127 = arith.addi %parallel_loop3A_124, %parallel_loop3A_126 : i32
        %parallel_loop3A_128 = arith.index_cast %parallel_loop3A_127 : i32 to index
        %parallel_loop3A_129 = tpu.vector_load %arg11[%parallel_loop3A_128] {strides = array<i32>} : memref<32768xf32, #tpu.memory_space<vmem>>, vector<16xf32>,
        tpu.vector_store %arg11[%parallel_loop3A_128], %broadcast_in_dim3A_3 {strides = array<i32>} : memref<32768xf32, #tpu.memory_space<vmem>>, vector<16xf32>,
      } {sc.loop_unroll_factor = 4 : i64, sc.parallel_access}
      %add3A_70 = arith.constant 511 : i32
      %add3A_71 = arith.addi %reduce_max3A_64, %add3A_70 : i32
      %jit3A = arith.constant 512 : i32
      %div3A = arith.divsi %add3A_71, %jit3A : i32
      %sign3A = arith.constant 0 : i32
      %sign3A_72 = arith.cmpi sgt, %add3A_71, %sign3A : i32
      %sign3A_73 = arith.extui %sign3A_72 : i1 to i32
      %sign3A_74 = arith.constant 0 : i32
      %sign3A_75 = arith.cmpi slt, %add3A_71, %sign3A_74 : i32
      %sign3A_76 = arith.extui %sign3A_75 : i1 to i32
      %sign3A_77 = arith.subi %sign3A_73, %sign3A_76 : i32
      %sign3A_78 = arith.constant 0 : i32
      %sign3A_79 = arith.cmpi sgt, %jit3A, %sign3A_78 : i32
      %sign3A_80 = arith.extui %sign3A_79 : i1 to i32
      %sign3A_81 = arith.constant 0 : i32
      %sign3A_82 = arith.cmpi slt, %jit3A, %sign3A_81 : i32
      %sign3A_83 = arith.extui %sign3A_82 : i1 to i32
      %sign3A_84 = arith.subi %sign3A_80, %sign3A_83 : i32
      %ne3A = arith.cmpi ne, %sign3A_77, %sign3A_84 : i32
      %rem3A = arith.remsi %add3A_71, %jit3A : i32
      %ne3A_85 = arith.constant 0 : i32
      %ne3A_86 = arith.cmpi ne, %rem3A, %ne3A_85 : i32
      %and3A = arith.andi %ne3A, %ne3A_86 : i1
      %sub3A = arith.constant 1 : i32
      %sub3A_87 = arith.subi %div3A, %sub3A : i32
      %select_n3A = arith.select %and3A, %sub3A_87, %div3A : i32
      %while3A = arith.constant 0 : i32
      %while3A_88 = arith.constant 0 : i32
      %while3A_89 = arith.subi %select_n3A, %while3A_88 : i32
      %while3A_90 = arith.addi %while3A_88, %while3A_89 : i32
      %while3A_91 = arith.constant 1 : i32
      %while3A_92 = arith.divsi %while3A_89, %while3A_91 : i32
      %while3A_93 = arith.muli %while3A_92, %while3A_91 : i32
      %while3A_94 = arith.addi %while3A_88, %while3A_93 : i32
      %while3A_95 = arith.constant 1 : i32
      scf.for %while3A_116 = %while3A_88 to %while3A_94 step %while3A_95  : i32 {
        %mul3A_117 = arith.constant 512 : i32
        %mul3A_118 = arith.muli %while3A_116, %mul3A_117 : i32
        %mul3A_119 = arith.constant 512 : i32
        %mul3A_120 = arith.muli %while3A_116, %mul3A_119 : i32
        %dma_start3A_121 = tpu.memref_slice %arg10[%mul3A_120] : memref<8192xf32, #tpu.memory_space<vmem>> -> memref<512xf32, #tpu.memory_space<vmem>>
        %dma_start3A_122 = tpu.memref_slice %arg8[%mul3A_118] : memref<8208xi32, #tpu.memory_space<vmem>> -> memref<512xi32, #tpu.memory_space<vmem>>
        %dma_start3A_123 = arith.constant 0 : i32
        %dma_start3A_124 = tpu.memref_slice %arg3[%dma_start3A_123] : memref<67108864xf32, #tpu.memory_space<hbm>> -> memref<67108864xf32, #tpu.memory_space<hbm>>
        tpu.enqueue_indirect_dma source(%dma_start3A_124 : memref<67108864xf32, #tpu.memory_space<hbm>>) target(%dma_start3A_121 : memref<512xf32, #tpu.memory_space<vmem>>) offsets(%dma_start3A_122 : memref<512xi32, #tpu.memory_space<vmem>>) semaphore(%arg12 : memref<!tpu.dma_semaphore, #tpu.memory_space<semaphore_mem>>)
      }
      %while3A_96 = arith.constant 1 : i32
      scf.for %while3A_116 = %while3A_94 to %while3A_90 step %while3A_96  : i32 {
        %mul3A_117 = arith.constant 512 : i32
        %mul3A_118 = arith.muli %while3A_116, %mul3A_117 : i32
        %mul3A_119 = arith.constant 512 : i32
        %mul3A_120 = arith.muli %while3A_116, %mul3A_119 : i32
        %dma_start3A_121 = tpu.memref_slice %arg10[%mul3A_120] : memref<8192xf32, #tpu.memory_space<vmem>> -> memref<512xf32, #tpu.memory_space<vmem>>
        %dma_start3A_122 = tpu.memref_slice %arg8[%mul3A_118] : memref<8208xi32, #tpu.memory_space<vmem>> -> memref<512xi32, #tpu.memory_space<vmem>>
        %dma_start3A_123 = arith.constant 0 : i32
        %dma_start3A_124 = tpu.memref_slice %arg3[%dma_start3A_123] : memref<67108864xf32, #tpu.memory_space<hbm>> -> memref<67108864xf32, #tpu.memory_space<hbm>>
        tpu.enqueue_indirect_dma source(%dma_start3A_124 : memref<67108864xf32, #tpu.memory_space<hbm>>) target(%dma_start3A_121 : memref<512xf32, #tpu.memory_space<vmem>>) offsets(%dma_start3A_122 : memref<512xi32, #tpu.memory_space<vmem>>) semaphore(%arg12 : memref<!tpu.dma_semaphore, #tpu.memory_space<semaphore_mem>>)
      }
      %while3A_97 = arith.constant 0 : i32
      %while3A_98 = arith.constant 0 : i32
      %while3A_99 = arith.subi %select_n3A, %while3A_98 : i32
      %while3A_100 = arith.addi %while3A_98, %while3A_99 : i32
      %while3A_101 = arith.constant 1 : i32
      %while3A_102 = arith.divsi %while3A_99, %while3A_101 : i32
      %while3A_103 = arith.muli %while3A_102, %while3A_101 : i32
      %while3A_104 = arith.addi %while3A_98, %while3A_103 : i32
      %while3A_105 = arith.constant 1 : i32
      scf.for %while3A_116 = %while3A_98 to %while3A_104 step %while3A_105  : i32 {
        %mul3A_117 = arith.constant 512 : i32
        %mul3A_118 = arith.muli %while3A_116, %mul3A_117 : i32
        %mul3A_119 = arith.constant 512 : i32
        %mul3A_120 = arith.muli %while3A_116, %mul3A_119 : i32
        %dma_wait3A_121 = tpu.memref_slice %arg10[%mul3A_120] : memref<8192xf32, #tpu.memory_space<vmem>> -> memref<512xf32, #tpu.memory_space<vmem>>
        %dma_wait3A_122 = tpu.memref_slice %arg8[%mul3A_118] : memref<8208xi32, #tpu.memory_space<vmem>> -> memref<512xi32, #tpu.memory_space<vmem>>
        %dma_wait3A_123 = arith.constant 0 : i32
        %dma_wait3A_124 = tpu.memref_slice %arg3[%dma_wait3A_123] : memref<67108864xf32, #tpu.memory_space<hbm>> -> memref<67108864xf32, #tpu.memory_space<hbm>>
        tpu.wait_indirect_dma semaphore(%arg12 : memref<!tpu.dma_semaphore, #tpu.memory_space<semaphore_mem>>) src(%dma_wait3A_124 : memref<67108864xf32, #tpu.memory_space<hbm>>) dst(%dma_wait3A_121 : memref<512xf32, #tpu.memory_space<vmem>>)
      }
      %while3A_106 = arith.constant 1 : i32
      scf.for %while3A_116 = %while3A_104 to %while3A_100 step %while3A_106  : i32 {
        %mul3A_117 = arith.constant 512 : i32
        %mul3A_118 = arith.muli %while3A_116, %mul3A_117 : i32
        %mul3A_119 = arith.constant 512 : i32
        %mul3A_120 = arith.muli %while3A_116, %mul3A_119 : i32
        %dma_wait3A_121 = tpu.memref_slice %arg10[%mul3A_120] : memref<8192xf32, #tpu.memory_space<vmem>> -> memref<512xf32, #tpu.memory_space<vmem>>
        %dma_wait3A_122 = tpu.memref_slice %arg8[%mul3A_118] : memref<8208xi32, #tpu.memory_space<vmem>> -> memref<512xi32, #tpu.memory_space<vmem>>
        %dma_wait3A_123 = arith.constant 0 : i32
        %dma_wait3A_124 = tpu.memref_slice %arg3[%dma_wait3A_123] : memref<67108864xf32, #tpu.memory_space<hbm>> -> memref<67108864xf32, #tpu.memory_space<hbm>>
        tpu.wait_indirect_dma semaphore(%arg12 : memref<!tpu.dma_semaphore, #tpu.memory_space<semaphore_mem>>) src(%dma_wait3A_124 : memref<67108864xf32, #tpu.memory_space<hbm>>) dst(%dma_wait3A_121 : memref<512xf32, #tpu.memory_space<vmem>>)
      }
      %add3A_107 = arith.constant 15 : i32
      %add3A_108 = arith.addi %reduce_max3A_64, %add3A_107 : i32
      %shift_right_arithmetic3A = arith.constant 4 : i32
      %shift_right_arithmetic3A_109 = arith.shrsi %add3A_108, %shift_right_arithmetic3A : i32
      %parallel_loop3A_110 = arith.constant 0 : i32
      %parallel_loop3A_111 = arith.constant 1 : i32
      scf.for %parallel_loop3A_116 = %parallel_loop3A_110 to %shift_right_arithmetic3A_109 step %parallel_loop3A_111  : i32 {
        %parallel_loop3A_117 = arith.constant 16 : i32
        %parallel_loop3A_118 = arith.muli %parallel_loop3A_116, %parallel_loop3A_117 : i32
        %parallel_loop3A_119 = arith.index_cast %parallel_loop3A_118 : i32 to index
        %parallel_loop3A_120 = tpu.vector_load %arg10[%parallel_loop3A_119] {strides = array<i32>} : memref<8192xf32, #tpu.memory_space<vmem>>, vector<16xf32>,
        %parallel_loop3A_121 = arith.constant 16 : i32
        %parallel_loop3A_122 = arith.muli %parallel_loop3A_116, %parallel_loop3A_121 : i32
        %parallel_loop3A_123 = arith.index_cast %parallel_loop3A_122 : i32 to index
        %parallel_loop3A_124 = tpu.vector_load %arg9[%parallel_loop3A_123] {strides = array<i32>} : memref<8208xi32, #tpu.memory_space<vmem>>, vector<16xi32>,
        %parallel_loop3A_125 = arith.constant 7 : i32
        %parallel_loop3A_126 = vector.broadcast %parallel_loop3A_125 : i32 to vector<16xi32>
        %parallel_loop3A_127 = arith.shrsi %parallel_loop3A_124, %parallel_loop3A_126 : vector<16xi32>
        %parallel_loop3A_128 = arith.constant 9 : i32
        %parallel_loop3A_129 = vector.broadcast %parallel_loop3A_128 : i32 to vector<16xi32>
        %parallel_loop3A_130 = arith.shli %parallel_loop3A_127, %parallel_loop3A_129 : vector<16xi32>
        %parallel_loop3A_131 = arith.constant 384 : i32
        %parallel_loop3A_132 = vector.broadcast %parallel_loop3A_131 : i32 to vector<16xi32>
        %parallel_loop3A_133 = arith.addi %parallel_loop3A_130, %parallel_loop3A_132 : vector<16xi32>
        %parallel_loop3A_134 = arith.constant 127 : i32
        %parallel_loop3A_135 = vector.broadcast %parallel_loop3A_134 : i32 to vector<16xi32>
        %parallel_loop3A_136 = arith.andi %parallel_loop3A_124, %parallel_loop3A_135 : vector<16xi32>
        %parallel_loop3A_137 = arith.addi %parallel_loop3A_133, %parallel_loop3A_136 : vector<16xi32>
        %parallel_loop3A_138 = arith.constant 16 : i32
        %parallel_loop3A_139 = arith.muli %parallel_loop3A_116, %parallel_loop3A_138 : i32
        %parallel_loop3A_140 = vector.broadcast %parallel_loop3A_139 : i32 to vector<16xi32>
        %parallel_loop3A_141 = arith.addi %parallel_loop3A_140, %iota3A : vector<16xi32>
        %parallel_loop3A_142 = vector.broadcast %reduce_max3A_64 : i32 to vector<16xi32>
        %parallel_loop3A_143 = arith.cmpi slt, %parallel_loop3A_141, %parallel_loop3A_142 : vector<16xi32>
        tpu.vector_store_idx %arg11[%parallel_loop3A_137], %parallel_loop3A_120 masked %parallel_loop3A_143 : memref<32768xf32, #tpu.memory_space<vmem>>[vector<16xi32>], vector<16xf32>, vector<16xi1>
      } {sc.loop_unroll_factor = 2 : i64, sc.parallel_access}
      %mul3A_112 = arith.constant 4 : i32
      %mul3A_113 = arith.muli %mul3A_112, %add3A_33 : i32
      %dma_start3A_114 = tpu.memref_slice %arg4[%mul3A_113] : memref<4194304xf32, #tpu.memory_space<hbm>> -> memref<32768xf32, #tpu.memory_space<hbm>>
      %dma_start3A_115 = tpu.memref_slice %arg4[%mul3A_113] : memref<4194304xf32, #tpu.memory_space<hbm>> -> memref<32768xf32, #tpu.memory_space<hbm>>
      tpu.enqueue_dma source(%arg11 : memref<32768xf32, #tpu.memory_space<vmem>>) target(%dma_start3A_115 : memref<32768xf32, #tpu.memory_space<hbm>>) target_semaphore(%arg14 : memref<!tpu.dma_semaphore, #tpu.memory_space<semaphore_mem>>)
    }
    %scan3A_24 = arith.constant 4 : i32
    %add3A_25 = arith.constant 24576 : i32
    %add3A_26 = arith.addi %mul3A_7, %add3A_25 : i32
    %mul3A_27 = arith.constant 4 : i32
    %mul3A_28 = arith.muli %mul3A_27, %add3A_26 : i32
    %dma_wait3A = tpu.memref_slice %arg4[%mul3A_28] : memref<4194304xf32, #tpu.memory_space<hbm>> -> memref<32768xf32, #tpu.memory_space<hbm>>
    %dma_wait3A_29 = tpu.memref_slice %arg4[%mul3A_28] : memref<4194304xf32, #tpu.memory_space<hbm>> -> memref<32768xf32, #tpu.memory_space<hbm>>
    tpu.wait_dma2 semaphore(%arg14 : memref<!tpu.dma_semaphore, #tpu.memory_space<semaphore_mem>>) src(%arg11 : memref<32768xf32, #tpu.memory_space<vmem>>) dst(%dma_wait3A_29 : memref<32768xf32, #tpu.memory_space<hbm>>)
    return
  }
}

</mosaic_0001>

<sc_bundles>
// kernel: kernel.3.cloned.1.call-start
scs
__scs_entry_jumppad:
0x0: {  	(pc) =	sbr.rel $0x88, $3  }
0x1: {  	(tag) =	ssettag $0x0;
	lr =	simm.s32 $0x1  }
0x2: {  	[smem:$0x3F9F] =	sst lr;
	_ =	strace $0xD0000000  }
0x3: {  	_ = 	snop  }
0x4: {  	_ = 	snop  }
0x5: {  	_ = 	snop  }
0x6: {  	_ = 	snop  }
0x7: {  	_ = 	snop  }
__scs_overlays_trampoline_lowered:
0x8: {  	[smem:$0x3FAE] =	sst s0  }
0x9: {  	[smem:$0x3FAF] =	sst s1  }
0xa: {  	[smem:$0x3FB0] =	sst s2  }
0xb: {  	[smem:$0x3FB1] =	sst s3  }
0xc: {  	[smem:$0x3FB2] =	sst s4  }
0xd: {  	[smem:$0x3FB3] =	sst s5  }
0xe: {  	[smem:$0x3FB4] =	sst s6  }
0xf: {  	[smem:$0x3FB5] =	sst s7  }
0x10: {  	[smem:$0x3FB6] =	sst s8  }
0x11: {  	[smem:$0x3FB7] =	sst s9;
	s0 =	simm.s32 @!p0 $0x0  }
0x12: {  	s1 =	sld [smem:$0x3F9D];
	s0 =	simm.s32 @p0 $0x1  }
0x13: {  	[smem:$0x3FB8] =	sst s0;
	s0 =	simm.s32 @!p1 $0x0  }
0x14: {  	s2 =	sld [smem:$0x3F9C];
	s0 =	simm.s32 @p1 $0x1  }
0x15: {  	[smem:$0x3FB9] =	sst s0;
	s0 =	simm.s32 @!p2 $0x0  }
0x16: {  	s3 =	sld [smem:$0x3FDB];
	s0 =	simm.s32 @p2 $0x1  }
0x17: {  	s4 =	simm.s32 $0x1BF5;
	[smem:$0x3FBB] =	sst s0  }
0x18: {  	s0 =	sld [smem:$0x3F9E];
	_ =	swait.ge [sflag:s4], $0x0  }
0x19: {  	s7 =	sld [smem:$0x3F9F]  }
0x1a: {  	s8 =	sadd.s32 $0xFFFFE003, lr  }
0x1b: {  	s9 =	sadd.s32 $0xFFFFFEF7, lr;
	s5 =	simm.s32 $0xFFFFFFFF;
	p2 =	slt.u32 s8, $0xFFFFF086  }
0x1c: {  	p1 =	slt.u32 s9, $0xF7A;
	s5 =	simm.s32 @!p2 $0x0  }
0x1d: {  	s5 =	simm.s32 @p1 $0x1;
	p0 =	seq.s32 s7, s2  }
0x1e: {  	s7 =	smul.u32 @!p0 $0xF7A, s2;
	p2 =	seq.s32 @!p0 s5, $0x0  }
0x1f: {  	s9 =	smul.u32 $0xF7A, s1;
	s8 =	simm.s32 @!p0 $0x1BF5;
	p2 =	por !p2, p0  }
0x20: {  	[sflag:s8] =	ssyncset.s32 @!p0 $0xFFFFF086;
	s6 =	sadd.s32 @!p0 s3, s7;
	s7 =	simm.s32 @!p0 $0x108  }
0x21: {  	s3 =	sadd.s32 s3, s9;
	s6 =	sadd.s32 @!p0 $0x88, s6;
	s7 =	simm.s32 @p2 $0x1082  }
0x22: {  	[simem:s7], [sflag:s8] =	dma.local @!p0 [hbm:s6], $0xF7A  }
0x23: {  	s9 =	sor.u32 $0xD0000000, s2;
	s6 =	simm.s32 $0x108;
	_ =	swait.ge @!p0 [sflag:s8], $0x0  }
0x24: {  	s3 =	sadd.s32 $0x88, s3;
	s6 =	simm.s32 @!p1 $0x1082;
	[sflag:s4] =	ssyncset.s32 $0xFFFFF086  }
0x25: {  	[simem:s6], [sflag:s4] =	dma.local [hbm:s3], $0xF7A  }
0x26: {  	[smem:$0x3F9F] =	sst s1;
	(tag) =	ssettag s2;
	_ =	strace s9  }
0x27: {  	s1 =	sld [smem:$0x3FAF]  }
0x28: {  	s2 =	sld [smem:$0x3FB0]  }
0x29: {  	s4 =	sld [smem:$0x3FB2]  }
0x2a: {  	p0 =	seq.s32 s5, $0x0;
	s5 =	sld [smem:$0x3FB3]  }
0x2b: {  	s6 =	sld [smem:$0x3FB4]  }
0x2c: {  	s7 =	sld [smem:$0x3FB5]  }
0x2d: {  	s3 =	simm.s32 $0x108;
	s8 =	sld [smem:$0x3FB6]  }
0x2e: {  	s3 =	simm.s32 @!p0 $0x1082;
	s9 =	sld [smem:$0x3FB7]  }
0x2f: {  	lr =	sadd.s32 s0, s3;
	s0 =	sld [smem:$0x3FAE]  }
0x30: {  	s3 =	sld [smem:$0x3FB1]  }
0x31: {  	[smem:$0x3FBA] =	sst s10  }
0x32: {  	s10 =	sld [smem:$0x3FB8];
	_ =	sdelay $0x3  }
0x33: {  	p0 =	seq.s32 s10, $0x1;
	s10 =	sld [smem:$0x3FBA];
	_ =	sdelay $0x3  }
0x34: {  	[smem:$0x3FBA] =	sst s10  }
0x35: {  	s10 =	sld [smem:$0x3FB9];
	_ =	sdelay $0x3  }
0x36: {  	p1 =	seq.s32 s10, $0x1;
	s10 =	sld [smem:$0x3FBA];
	_ =	sdelay $0x3  }
0x37: {  	[smem:$0x3FBA] =	sst s10  }
0x38: {  	s10 =	sld [smem:$0x3FBB]  }
0x39: {  	_ = 	snop;
	(pc) =	sbr.ind lr, $3  }
0x3a: {  	_ = 	snop  }
0x3b: {  	_ = 	snop  }
0x3c: {  	p2 =	seq.s32 s10, $0x1;
	s10 =	sld [smem:$0x3FBA]  }
0x3d: {  	_ =	shalt  }
0x3e: {  	_ =	shalt  }
0x3f: {  	_ =	shalt  }
0x40: {  	_ =	shalt  }
0x41: {  	_ =	shalt  }
0x42: {  	_ =	shalt  }
0x43: {  	_ =	shalt  }
0x44: {  	_ =	shalt  }
0x45: {  	_ =	shalt  }
0x46: {  	_ =	shalt  }
0x47: {  	_ =	shalt  }
0x48: {  	_ =	shalt  }
0x49: {  	_ =	shalt  }
0x4a: {  	_ =	shalt  }
0x4b: {  	_ =	shalt  }
0x4c: {  	_ =	shalt  }
0x4d: {  	_ =	shalt  }
0x4e: {  	_ =	shalt  }
0x4f: {  	_ =	shalt  }
0x50: {  	_ =	shalt  }
0x51: {  	_ =	shalt  }
0x52: {  	_ =	shalt  }
0x53: {  	_ =	shalt  }
0x54: {  	_ =	shalt  }
0x55: {  	_ =	shalt  }
0x56: {  	_ =	shalt  }
0x57: {  	_ =	shalt  }
0x58: {  	_ =	shalt  }
0x59: {  	_ =	shalt  }
0x5a: {  	_ =	shalt  }
0x5b: {  	_ =	shalt  }
0x5c: {  	_ =	shalt  }
0x5d: {  	_ =	shalt  }
0x5e: {  	_ =	shalt  }
0x5f: {  	_ =	shalt  }
0x60: {  	_ =	shalt  }
0x61: {  	_ =	shalt  }
0x62: {  	_ =	shalt  }
0x63: {  	_ =	shalt  }
0x64: {  	_ =	shalt  }
0x65: {  	_ =	shalt  }
0x66: {  	_ =	shalt  }
0x67: {  	_ =	shalt  }
0x68: {  	_ =	shalt  }
0x69: {  	_ =	shalt  }
0x6a: {  	_ =	shalt  }
0x6b: {  	_ =	shalt  }
0x6c: {  	_ =	shalt  }
0x6d: {  	_ =	shalt  }
0x6e: {  	_ =	shalt  }
0x6f: {  	_ =	shalt  }
0x70: {  	_ =	shalt  }
0x71: {  	_ =	shalt  }
0x72: {  	_ =	shalt  }
0x73: {  	_ =	shalt  }
0x74: {  	_ =	shalt  }
0x75: {  	_ =	shalt  }
0x76: {  	_ =	shalt  }
0x77: {  	_ =	shalt  }
0x78: {  	_ =	shalt  }
0x79: {  	_ =	shalt  }
0x7a: {  	_ =	shalt  }
0x7b: {  	_ =	shalt  }
0x7c: {  	_ =	shalt  }
0x7d: {  	_ =	shalt  }
0x7e: {  	_ =	shalt  }
0x7f: {  	_ =	shalt  }
0x80: {  	_ =	shalt  }
0x81: {  	_ =	shalt  }
0x82: {  	_ =	shalt  }
0x83: {  	_ =	shalt  }
0x84: {  	_ =	shalt  }
0x85: {  	_ =	shalt  }
0x86: {  	_ =	shalt  }
0x87: {  	_ =	shalt  }
.Lfunc_end0:
.L_simem_size_0:
called_computation_lowered:
.L_overlay_start_0:
0x88: {  	s2 =	sld [smem:$0x3FD9]  }
0x89: {  	s3 =	sld [smem:$0x3FFE];
	_ =	sdelay $0x1  }
0x8a: {  	s1 =	srdreg.scid  }
0x8b: {  	s0 =	sand.u32 $0x1, s1  }
0x8c: {  	s18 =	sshll.u32 s0, $0xA;
	s2 =	sadd.s32 s3, s2  }
0x8d: {  	s2 =	sadd.s32 s2, s18  }
0x8e: {  	[smem:$0x3FC6] =	sst s2  }
0x8f: {  	_ = 	snop  }
0x90: {  	s2 =	sld [smem:$0x3FC9]  }
0x91: {  	s19 =	sld [smem:$0x3FC8]  }
0x92: {  	s4 =	sld [smem:$0x3FD0];
	(tm) =	ssettm $0x1  }
0x93: {  	s5 =	sld [smem:$0x3FFB];
	_ =	sdelay $0x3  }
0x94: {  	_ =	strace s5  }
0x95: {  	s5 =	sld [smem:$0x3FFC];
	_ =	sdelay $0x3  }
0x96: {  	_ =	strace s5  }
0x97: {  	s5 =	sld [smem:$0x3FFD];
	_ =	sdelay $0x3  }
0x98: {  	_ =	strace s5  }
0x99: {  	_ =	strace $0x8FFFFFFF  }
0x9a: {  	s20 =	sld [smem:$0x3FDB];
	_ =	sdelay $0x1  }
0x9b: {  	s6 =	simm.s32 $_scs_section_size  }
0x9c: {  	s7 =	simm.s32 $_size__tile_overlayer_lowered;
	s8 =	simm.s32 $_tile_overlayer_lowered  }
0x9d: {  	s23 =	simm.s32 $0x1BFF;
	s22 =	sshll.u32 s8, $0x1;
	s5 =	sadd.s32 s6, s20  }
0x9e: {  	s9 =	simm.s32 $0x0;
	s21 =	sshll.u32 s7, $0x1;
	s7 =	sadd.s32 s22, s5  }
0x9f: {  	[timem:s9], [sflag:s23] =	dma.local [hbm:s7], s21  }
0xa0: {  	_ =	swait.ge [sflag:s23], s21  }
0xa1: {  	s6 =	ssub.s32 $0x0, s21;
	[sflag:s23] =	ssyncset.done $0x0  }
0xa2: {  	[sflag:s23] =	ssyncadd.s32 s6;
	_ =	sdelay $0x1  }
0xa3: {  	s24 =	simm.s32 $0x1B8B  }
0xa4: {  	_ =	swait.ge [sflag:s24], $0x1  }
0xa5: {  	[sflag:s24] =	ssyncset.done $0x0  }
0xa6: {  	s25 =	simm.s32 $0x1B8E;
	[sflag:s24] =	ssyncadd.s32 $0xFFFFFFFF  }
0xa7: {  	s26 =	simm.s32 $execute0_lowered;
	[smem:$0x3FD2] =	sst s25  }
0xa8: {  	s6 =	sshll.u32 s26, $0x1;
	_ =	strace $0x80000046;
	[dreg:$0x1] =	wrdreg $0xFFFFFFFF  }
0xa9: {  	s28 =	simm.s32 $_size_execute0_lowered;
	s5 =	sadd.s32 s5, s6;
	[dreg:$0x0] =	wrdreg $0x0  }
0xaa: {  	s6 =	sshll.u32 s28, $0x1;
	[dreg:$0x2] =	wrdreg s5  }
0xab: {  	[dreg:$0x3] =	wrdreg s6  }
0xac: {  	[dreg:$0x4] =	wrdreg $0xC0  }
0xad: {  	_ =	task [dreg:s9], $0x5FFFF  }
0xae: {  	[dreg:$0x1] =	wrdreg $0xFFFFFFFF  }
0xaf: {  	[dreg:$0x0] =	wrdreg $0x60  }
0xb0: {  	[dreg:$0x2] =	wrdreg s2  }
0xb1: {  	[dreg:$0x3] =	wrdreg s19  }
0xb2: {  	[dreg:$0x4] =	wrdreg s4  }
0xb3: {  	[dreg:$0x5] =	wrdreg $0x9  }
0xb4: {  	_ =	task.clear_ibuf [dreg:s9], $0x6FFFF;
	_ =	strace $0x90000046  }
0xb5: {  	s29 =	simm.s32 $0x9;
	_ =	strace $0x80000048  }
0xb6: {  	_ =	swait.ge [sflag:s29], $0x1  }
0xb7: {  	[sflag:s29] =	ssyncadd.s32 $0xFFFFFFFF  }
0xb8: {  	_ =	strace $0x90000048  }
0xb9: {  	_ =	sfence  }
0xba: {  	s30 =	sld [smem:$0x0];
	_ =	sdelay $0x2  }
0xbb: {  	s31 =	sshll.u32 s1, $0xD;
	s1 =	sshrl.u32 s1, $0x2  }
0xbc: {  	s3 =	sand.u32 $0x4000, s31;
	s1 =	sadd.s32 s1, s30  }
0xbd: {  	s0 =	sor.u32 s3, s0;
	s1 =	sshll.u32 s1, $0x11  }
0xbe: {  	s0 =	sor.u32 s1, s0  }
0xbf: {  	s0 =	sadd.s32 $0x8F2B, s0  }
0xc0: {  	[sflag:s0] =	ssyncadd.remote.s32 $0x1  }
0xc1: {  	_ =	sfence.sel $0xFFFF  }
0xc2: {  	[dreg:$0x0] =	wrdreg $0xFFFFFFFF;
	(pc) =	sbr.abs _section_cstart, $3  }
0xc3: {  	[dreg:$0x1] =	wrdreg $0xFFFFFFFF  }
0xc4: {  	_ =	task.clear_ibuf [dreg:s9], $0x2FFFF;
	_ =	strace $0x9FFFFFFF  }
0xc5: {  	(tm) =	ssettm $0x7FFFFFFF  }
tec
execute0_lowered:
.L_overlay_start_1:
0x0: {  	(tag) =	ssettag $0x1  }
0x1: {  	s1 =	rddreg [dreg:$0x0]  }
0x2: {  	s2 =	rddreg [dreg:$0x1]  }
0x3: {  	s3 =	rddreg [dreg:$0x2];
	s4 =	simm.s32 $0x0;
	s0 =	srdreg.scid  }
0x4: {  	s5 =	stileid.u32;
	s10 =	simm.s32 $0x2000;
	s11 =	simm.s32 $0x4000  }
0x5: {  	s12 =	simm.s32 $0x2;
	s13 =	simm.s32 $0x6000;
	s14 =	simm.s32 $0x8080  }
0x6: {  	s15 =	simm.s32 $0x1;
	s16 =	simm.s32 $0x200;
	s17 =	simm.s32 $0xC100  }
.Ltmp0:
0x7: {  	s18 =	simm.s32 $0x3;
	s0 =	sand.u32 $0x1, s0;
	(pc) =	sbr.rel .LBB2_1-.Ltmp0, $4  }
0x8: {  	s19 =	simm.s32 $0x0;
	[smem:$0x7FF] =	sst s4;
	s6 =	ssub.s32 $0x2, s0  }
0x9: {  	s8 =	sshll.u32 s5, $0x10;
	s0 =	sshll.u32 s0, $0xF;
	s7 =	sshrl.u32 s6, $0x1  }
0xa: {  	v0 =	vimm.f32 $1.000000000e+00;
	_ =	strace $0x80000047;
	s9 =	ssub.s32 s6, s7;
	s6 =	sor.u32 s0, s8  }
0xb: {  	v1 =	vimm.s32 $0x0;
	v2 =	vlaneseq.u32;
	v3 =	vimm.f32 $0.0e+00;
	s7 =	sadd.s32 $0x20000, s1;
	s8 =	sadd.s32 $0x40000, s1;
	s9 =	smax.u32 s9, $0x1  }
.LBB2_27:
0xc: {  	s19 =	sadd.s32 $0x1, s19  }
0xd: {  	p0 =	sne.s32 s19, s9  }
.Ltmp1:
0xe: {  	_ = 	snop;
	(pc) =	sbr.rel @!p0 .LBB2_28-.Ltmp1, $4  }
0xf: {  	_ = 	snop  }
0x10: {  	_ =	swait.ge [sflag:s18], $0x8000  }
0x11: {  	[sflag:s18] =	ssyncset.done $0x0  }
0x12: {  	[sflag:s18] =	ssyncadd.s32 $0xFFFF8000  }
.LBB2_1:
0x13: {  	s0 =	simm.s32 $0x40;
	s20 =	simm.s32 $0x0  }
.LBB2_2:
0x14: {  	p0 =	sne.s32 s0, $0x1FFC0;
	[tilespmem:s20+$0xC100] =	vst v0;
	s20 =	smov.u32 s0;
	s0 =	sadd.s32 $0x40, s0  }
.Ltmp2:
0x15: {  	(pc) =	sbr.rel @p0 .LBB2_2-.Ltmp2, $2  }
0x16: {  	_ =	sdelay $0x2  }
0x17: {  	s20 =	sshra.s32 s20, $0x2  }
0x18: {  	[tilespmem:s20+$0xC100] =	vst v0;
	s20 =	simm.s32 $0x0;
	s0 =	simm.s32 $0x40;
	s21 =	simm.s32 $0x0  }
.LBB2_4:
0x19: {  	p0 =	sne.s32 s0, $0x8000;
	[tilespmem:s21+$0x6000] =	vst v1;
	s21 =	smov.u32 s0;
	s0 =	sadd.s32 $0x40, s0  }
.Ltmp3:
0x1a: {  	(pc) =	sbr.rel @p0 .LBB2_4-.Ltmp3, $2  }
0x1b: {  	_ =	sdelay $0x2  }
0x1c: {  	s21 =	sshra.s32 s21, $0x2  }
.Ltmp4:
0x1d: {  	(pc) =	sbr.rel .LBB2_6-.Ltmp4, $2  }
0x1e: {  	_ =	sdelay $0x2  }
0x1f: {  	[tilespmem:s21+$0x6000] =	vst v1  }
.LBB2_18:
0x20: {  	s29 =	simm.s32 $0xA110;
	s28 =	simm.s32 $0x10;
	v11 =	vmov v12;
	v12 =	vmov v15  }
.LBB2_25:
0x21: {  	v15 =	vor.u32 @p0 s30, v2;
	v13 =	vor.u32 @p0 v14, v13  }
0x22: {  	s0 =	sadd.s32 @p0 $0x20, s28;
	vm2 =	vlt.s32 @p0 v9, v4;
	v10 =	vor.u32 @p0 $0x180, v10;
	v58 =	vshll.u32 v11, $0x2  }
0x23: {  	s28 =	simm.s32 $0xA110;
	v59 =	vshll.u32 v12, $0x2;
	v60 =	vand.u32 $0x7F, v11;
	v61 =	vand.u32 $0x7F, v12;
	s26 =	smov.u32 @p0 s0;
	s0 =	sadd.s32 @p1 $0x20, s29  }
0x24: {  	vm3 =	vlt.s32 @p0 v15, v4;
	v9 =	vor.u32 @p0 $0x180, v13;
	v14 =	vand.u32 $0xFFFFFE00, v58;
	s28 =	smov.u32 @p1 s0  }
0x25: {  	vm2 =	vmmov @p0 vm2;
	v15 =	vand.u32 $0xFFFFFE00, v59;
	v10 =	vpsel p0, v10, v0;
	v16 =	vld @p0 [tilespmem:s28+$0x0]  }
0x26: {  	v57 =	vor.u32 s26, v2;
	v11 =	vor.u32 v14, v60;
	s31 =	sadd.s32 $0xFFFFFFF0, s26;
	vm3 =	vmmov @p0 vm3;
	v14 =	vld @p0 [tilespmem:s28+$0xFFFFFFF0];
	s26 =	sadd.s32 @p0 $0x20, s28  }
0x27: {  	v9 =	vpsel p0, v9, v0;
	vm4 =	vlt.s32 v57, v4;
	v62 =	vor.u32 s31, v2;
	s25 =	smov.u32 @p0 s26  }
0x28: {  	v12 =	vor.u32 v15, v61;
	v11 =	vor.u32 $0x180, v11;
	vm5 =	vlt.s32 v62, v4;
	v4 =	vld [tilespmem:s25+$0x0]  }
0x29: {  	[tilespmem:v7+s17+$0x0] =	vst.idx.msk @p1 vm0, v5;
	v5 =	vor.u32 $0x180, v12;
	v63 =	vld [tilespmem:s25+$0xFFFFFFF0]  }
0x2a: {  	[tilespmem:v6+s17+$0x0] =	vst.idx.msk @p1 vm1, v8;
	v6 =	vpsel p0, v16, v0  }
0x2b: {  	[tilespmem:v10+s17+$0x0] =	vst.idx.msk @p0 vm2, v6;
	v6 =	vpsel p0, v14, v0  }
0x2c: {  	[tilespmem:v9+s17+$0x0] =	vst.idx.msk @p0 vm3, v6  }
0x2d: {  	[tilespmem:v11+s17+$0x0] =	vst.idx.msk vm4, v4  }
0x2e: {  	[tilespmem:v5+s17+$0x0] =	vst.idx.msk vm5, v63  }
.LBB2_26:
0x2f: {  	s0 =	ssub.s32 s23, s24  }
0x30: {  	p0 =	slt.s32 s0, $0x1  }
0x31: {  	s0 =	sshll.u32 @!p0 s24, $0x4  }
0x32: {  	v4 =	vld @!p0 [tilespmem:s0+$0x8080];
	_ =	sdelay $0x4  }
0x33: {  	v5 =	vlaneseq.u32 @!p0;
	v6 =	vshll.u32 @!p0 v4, $0x2  }
0x34: {  	v5 =	vor.u32 @!p0 s0, v5;
	v4 =	vand.u32 @!p0 $0x7F, v4;
	v6 =	vand.u32 @!p0 $0xFFFFFE00, v6  }
0x35: {  	vm0 =	vlt.s32 @!p0 v5, s22;
	v4 =	vor.u32 @!p0 v6, v4  }
0x36: {  	v5 =	vld @!p0 [tilespmem:s0+$0xA100];
	v4 =	vor.u32 @!p0 $0x180, v4;
	_ =	sdelay $0x3  }
0x37: {  	s20 =	sadd.s32 $0x1, s20;
	s0 =	simm.s32 @!p0 $0xC100  }
0x38: {  	[tilespmem:v4+s0+$0x0] =	vst.idx.msk @!p0 vm0, v5;
	p0 =	sne.s32 s20, $0x4  }
.Ltmp5:
0x39: {  	_ = 	snop;
	(pc) =	sbr.rel @!p0 .LBB2_27-.Ltmp5, $4  }
0x3a: {  	_ = 	snop  }
0x3b: {  	s31 =	sshrl.u32 s21, $0x1  }
0x3c: {  	s0 =	sadd.s32 s3, s31  }
0x3d: {  	[hbm4b:s0+s4] =	stream.linear.scatter [tilespmem:s17], [sflag:$0x3], $0x8000, $0x38;
	[tilespmem:$0x14100] =	vst v63  }
.LBB2_6:
0x3e: {  	s0 =	sshll.u32 s20, $0xD  }
0x3f: {  	s21 =	sadd.s32 s6, s0  }
0x40: {  	s0 =	sshrl.u32 s21, $0x3  }
0x41: {  	s22 =	simm.s32 $0x0;
	s23 =	sadd.s32 s1, s0  }
0x42: {  	[tilespmem:s22], [sflag:$0x2] =	stream.linear.gather [hbm4b:s23+s22], $0x2000, $0x38;
	[tilespmem:$0x14100] =	vst v63  }
0x43: {  	s29 =	sadd.s32 s0, s7  }
0x44: {  	[tilespmem:s10], [sflag:$0x2] =	stream.linear.gather [hbm4b:s29+s22], $0x2000, $0x38;
	[tilespmem:$0x14100] =	vst v63  }
0x45: {  	s0 =	sadd.s32 s0, s8  }
0x46: {  	[tilespmem:s11], [sflag:$0x2] =	stream.linear.gather [hbm4b:s0+s22], $0x2000, $0x38;
	[tilespmem:$0x14100] =	vst v63  }
0x47: {  	_ =	swait.ge [sflag:s12], $0x2000  }
0x48: {  	[sflag:s12] =	ssyncset.done $0x0  }
0x49: {  	[sflag:s12] =	ssyncadd.s32 $0xFFFFE000  }
0x4a: {  	_ =	swait.ge [sflag:s12], $0x2000  }
0x4b: {  	[sflag:s12] =	ssyncset.done $0x0  }
0x4c: {  	[sflag:s12] =	ssyncadd.s32 $0xFFFFE000  }
0x4d: {  	_ =	swait.ge [sflag:s12], $0x2000  }
0x4e: {  	[sflag:s12] =	ssyncset.done $0x0  }
0x4f: {  	s30 =	simm.s32 $0x4020;
	[sflag:s12] =	ssyncadd.s32 $0xFFFFE000  }
0x50: {  	v4 =	vld [tilespmem:s30+$0xFFFFFFE0]  }
0x51: {  	v5 =	vld [tilespmem:s30+$0xFFFFFFF0]  }
0x52: {  	v6 =	vld [tilespmem:s30+$0x0]  }
0x53: {  	s23 =	simm.s32 $0x20;
	v7 =	vld [tilespmem:s30+$0x10]  }
0x54: {  	s24 =	simm.s32 $0x2020;
	v8 =	vld [tilespmem:s23+$0xFFFFFFE0]  }
0x55: {  	v9 =	vld [tilespmem:s24+$0xFFFFFFE0]  }
0x56: {  	v10 =	vld [tilespmem:s23+$0xFFFFFFF0]  }
0x57: {  	v11 =	vld [tilespmem:s24+$0xFFFFFFF0]  }
0x58: {  	v12 =	vld [tilespmem:s23+$0x0]  }
0x59: {  	v13 =	vld [tilespmem:s24+$0x0];
	v4 =	vadd.f32 $1.000000000e+00, v4;
	v5 =	vadd.f32 $1.000000000e+00, v5  }
0x5a: {  	v14 =	vld [tilespmem:s23+$0x10];
	v6 =	vadd.f32 $1.000000000e+00, v6;
	v7 =	vadd.f32 $1.000000000e+00, v7  }
0x5b: {  	v15 =	vld [tilespmem:s24+$0x10];
	v8 =	vadd.f32 $1.000000000e+00, v8;
	v9 =	vadd.f32 $1.000000000e+00, v9  }
0x5c: {  	v10 =	vadd.f32 $1.000000000e+00, v10;
	v11 =	vadd.f32 $1.000000000e+00, v11  }
0x5d: {  	v12 =	vadd.f32 $1.000000000e+00, v12;
	v4 =	vmul.f32 $1.275000000e+02, v4;
	v5 =	vmul.f32 $1.275000000e+02, v5  }
0x5e: {  	v13 =	vadd.f32 $1.000000000e+00, v13;
	v6 =	vmul.f32 $1.275000000e+02, v6;
	v8 =	vmul.f32 $2.555000000e+02, v8  }
0x5f: {  	v14 =	vadd.f32 $1.000000000e+00, v14;
	v7 =	vmul.f32 $1.275000000e+02, v7;
	v9 =	vmul.f32 $2.555000000e+02, v9  }
0x60: {  	v15 =	vadd.f32 $1.000000000e+00, v15;
	v10 =	vmul.f32 $2.555000000e+02, v10;
	v11 =	vmul.f32 $2.555000000e+02, v11  }
0x61: {  	v12 =	vmul.f32 $2.555000000e+02, v12;
	v13 =	vmul.f32 $2.555000000e+02, v13  }
0x62: {  	v14 =	vmul.f32 $2.555000000e+02, v14;
	v15 =	vmul.f32 $2.555000000e+02, v15  }
0x63: {  	v16 =	vtrunc.f32 v4;
	v5 =	vtrunc.f32 v5  }
0x64: {  	v17 =	vtrunc.f32 v6;
	v8 =	vtrunc.f32 v8  }
0x65: {  	v7 =	vtrunc.f32 v7;
	v18 =	vtrunc.f32 v9  }
0x66: {  	v19 =	vtrunc.f32 v10;
	v20 =	vtrunc.f32 v11  }
0x67: {  	v21 =	vtrunc.f32 v12;
	v13 =	vtrunc.f32 v13  }
0x68: {  	v14 =	vtrunc.f32 v14;
	v15 =	vtrunc.f32 v15  }
0x69: {  	v16 =	vcvt.f32.s32 v16;
	v12 =	vcvt.f32.s32 v5  }
0x6a: {  	v10 =	vcvt.f32.s32 v17;
	v17 =	vcvt.f32.s32 v8  }
0x6b: {  	v8 =	vcvt.f32.s32 v7;
	v22 =	vcvt.f32.s32 v18  }
0x6c: {  	v4 =	vimm.s32 $0x0;
	v23 =	vcvt.f32.s32 v19;
	v20 =	vcvt.f32.s32 v20  }
0x6d: {  	s31 =	simm.s32 $0x10;
	v6 =	vor.u32 s22, v2;
	v21 =	vcvt.f32.s32 v21;
	v26 =	vcvt.f32.s32 v13  }
0x6e: {  	v5 =	vor.u32 s31, v2;
	v27 =	vcvt.f32.s32 v14;
	v28 =	vcvt.f32.s32 v15  }
0x6f: {  	v9 =	vshll.u32 v16, $0x3;
	v11 =	vand.u32 $0x7F, v16;
	v24 =	vshll.u32 v17, $0x11  }
0x70: {  	vm0 =	vlt.u32 v16, $0x100;
	vm1 =	vlt.u32 v12, $0x100;
	v7 =	vor.u32 v17, v22  }
0x71: {  	vm4 =	vlt.u32 v10, $0x100;
	vm5 =	vlt.u32 v8, $0x100;
	vm2 =	vlt.u32 v7, $0x200  }
0x72: {  	v13 =	vor.u32 v21, v26;
	v7 =	vor.u32 v23, v20;
	vm3 =	vmand vm2, vm0  }
0x73: {  	vm0 =	vlt.u32 v7, $0x200;
	v7 =	vor.u32 v27, v28;
	v14 =	vmpcnt.ones.xlane vm3  }
0x74: {  	vm2 =	vmand vm0, vm1;
	vm0 =	vlt.u32 v13, $0x200;
	v18 =	vsel vm3, $0x1, v1  }
0x75: {  	v13 =	vmpcnt.ones.xlane vm2;
	vm1 =	vmand vm0, vm4;
	vm0 =	vlt.u32 v7, $0x200;
	(xrf0) =	vadd.scan.msk.s32 $0xffff, v18  }
0x76: {  	v15 =	vadd.s32 v4, v14;
	v7 =	vmpcnt.ones.xlane vm1;
	vm0 =	vmand vm0, vm5  }
0x77: {  	v25 =	vshll.u32 v22, $0x8;
	v14 =	vadd.s32 v15, v13;
	v29 =	vmpcnt.ones.xlane vm0  }
0x78: {  	v30 =	vshll.u32 v20, $0x8;
	v19 =	vsel vm2, $0x1, v1;
	v13 =	vadd.s32 v14, v7  }
0x79: {  	v16 =	vsel vm1, $0x1, v1;
	(xrf0) =	vadd.scan.msk.s32 $0xffff, v19;
	v7 =	vadd.s32 v13, v29;
	v29 =	vshll.u32 v26, $0x8  }
0x7a: {  	v31 =	vshll.u32 v28, $0x8;
	v17 =	vsel vm0, $0x1, v1;
	(xrf0) =	vadd.scan.msk.s32 $0xffff, v16;
	v32 =	vand.u32 $0xFFFFF800, v29  }
0x7b: {  	v29 =	vshll.u32 v23, $0x11;
	v23 =	vshll.u32 v20, $0x7;
	v20 =	vshll.u32 v21, $0x11;
	v21, _, _ =	vpop (xrf0);
	(xrf0) =	vadd.scan.msk.s32 $0xffff, v17  }
0x7c: {  	v22 =	vshll.u32 v22, $0x7;
	v33 =	vshll.u32 v27, $0x11;
	v25 =	vand.u32 $0xFFFFF800, v25  }
0x7d: {  	v30 =	vand.u32 $0xFFFFF800, v30;
	v31 =	vand.u32 $0xFFFFF800, v31;
	v25 =	vadd.s32 v24, v25  }
0x7e: {  	v28 =	vshll.u32 v28, $0x7;
	v26 =	vshll.u32 v26, $0x7;
	v24 =	vadd.s32 v29, v30  }
0x7f: {  	s25 =	simm.s32 $0x0;
	s26 =	simm.s32 $0x4060;
	v29 =	vand.u32 $0x380, v22;
	v27 =	vadd.s32 v20, v32;
	v20 =	vadd.s32 v33, v31;
	v22, _, _ =	vpop (xrf0)  }
.LBB2_7:
0x80: {  	v30 =	vld [tilespmem:s26+$0xFFFFFFE0];
	v23 =	vand.u32 $0x380, v23;
	v33 =	vand.u32 $0x380, v26;
	v28 =	vand.u32 $0x380, v28;
	v31, _, _ =	vpop (xrf0)  }
0x81: {  	v25 =	vor.u32 v29, v25;
	v32 =	vld [tilespmem:s26+$0xFFFFFFF0];
	v23 =	vor.u32 v23, v24;
	v24 =	vor.u32 v33, v27;
	v26, _, _ =	vpop (xrf0)  }
0x82: {  	v29 =	vshll.u32 v12, $0x3;
	v12 =	vand.u32 $0x7F, v12;
	v20 =	vor.u32 v28, v20;
	v27 =	vld [tilespmem:s26+$0x0]  }
0x83: {  	v34 =	vshll.u32 v8, $0x3;
	s23 =	sadd.s32 $0x40, s23;
	v33 =	vshll.u32 v10, $0x3;
	v10 =	vand.u32 $0x7F, v10;
	v28 =	vld [tilespmem:s26+$0x10]  }
0x84: {  	v18 =	vsub.s32 v21, v18;
	v19 =	vsub.s32 v22, v19;
	v8 =	vand.u32 $0x7F, v8;
	s24 =	sadd.s32 $0x40, s24;
	v35 =	vld [tilespmem:s23+$0xFFFFFFE0]  }
0x85: {  	v11 =	vor.u32 v11, v25;
	v16 =	vsub.s32 v31, v16;
	v17 =	vsub.s32 v26, v17;
	v21 =	vld [tilespmem:s24+$0xFFFFFFE0]  }
0x86: {  	v12 =	vor.u32 v12, v23;
	v10 =	vor.u32 v10, v24;
	v8 =	vor.u32 v8, v20;
	v22 =	vld [tilespmem:s23+$0xFFFFFFF0]  }
0x87: {  	v9 =	vand.u32 $0xFFFFFC00, v9;
	v23 =	vand.u32 $0xFFFFFC00, v29;
	v24 =	vand.u32 $0xFFFFFC00, v33;
	v20 =	vld [tilespmem:s24+$0xFFFFFFF0]  }
0x88: {  	v18 =	vadd.s32 v4, v18;
	v15 =	vadd.s32 v15, v19;
	v19 =	vand.u32 $0xFFFFFC00, v34;
	v4 =	vmovc v7;
	v25 =	vld [tilespmem:s23+$0x0]  }
0x89: {  	v14 =	vadd.s32 v14, v16;
	v26 =	vadd.f32 $1.000000000e+00, v30;
	v29 =	vadd.f32 $1.000000000e+00, v32;
	v30 =	vld [tilespmem:s24+$0x0]  }
0x8a: {  	s25 =	sadd.s32 $0x4, s25;
	v13 =	vadd.s32 v13, v17;
	v16 =	vadd.f32 $1.000000000e+00, v27;
	v28 =	vadd.f32 $1.000000000e+00, v28;
	v27 =	vld [tilespmem:s23+$0x10]  }
0x8b: {  	p0 =	slt.u32 s25, $0x1FC;
	v9 =	vadd.s32 v9, v11;
	v17 =	vadd.f32 $1.000000000e+00, v35;
	v21 =	vadd.f32 $1.000000000e+00, v21;
	v31 =	vld [tilespmem:s24+$0x10]  }
0x8c: {  	v11 =	vmul.f32 $1.275000000e+02, v26;
	v22 =	vadd.f32 $1.000000000e+00, v22;
	v20 =	vadd.f32 $1.000000000e+00, v20  }
0x8d: {  	v26 =	vmul.f32 $1.275000000e+02, v29;
	v16 =	vmul.f32 $1.275000000e+02, v16;
	v25 =	vadd.f32 $1.000000000e+00, v25;
	[tilespmem:v18+s13+$0x0] =	vst.idx.msk vm3, v9  }
0x8e: {  	v28 =	vmul.f32 $1.275000000e+02, v28;
	v9 =	vmul.f32 $2.555000000e+02, v17;
	v17 =	vadd.f32 $1.000000000e+00, v30;
	[tilespmem:v18+s14+$0x0] =	vst.idx.msk vm3, v6  }
0x8f: {  	v6 =	vmul.f32 $2.555000000e+02, v21;
	v18 =	vmul.f32 $2.555000000e+02, v22;
	v21 =	vadd.f32 $1.000000000e+00, v27  }
0x90: {  	v20 =	vmul.f32 $2.555000000e+02, v20;
	v22 =	vmul.f32 $2.555000000e+02, v25;
	v25 =	vadd.f32 $1.000000000e+00, v31  }
0x91: {  	v12 =	vadd.s32 v23, v12;
	v17 =	vmul.f32 $2.555000000e+02, v17;
	v21 =	vmul.f32 $2.555000000e+02, v21  }
0x92: {  	v10 =	vadd.s32 v24, v10;
	v11 =	vtrunc.f32 v11;
	v23 =	vmul.f32 $2.555000000e+02, v25;
	[tilespmem:v15+s13+$0x0] =	vst.idx.msk vm2, v12  }
0x93: {  	s0 =	sadd.s32 $0x20, s22;
	v16 =	vtrunc.f32 v16;
	v12 =	vtrunc.f32 v26;
	[tilespmem:v15+s14+$0x0] =	vst.idx.msk vm2, v5;
	v5 =	vadd.s32 v19, v8  }
0x94: {  	v8 =	vtrunc.f32 v9;
	v15 =	vtrunc.f32 v28;
	v9 =	vor.u32 s0, v2;
	[tilespmem:v14+s13+$0x0] =	vst.idx.msk vm1, v10  }
0x95: {  	v18 =	vtrunc.f32 v18;
	v19 =	vtrunc.f32 v6;
	s0 =	sadd.s32 $0x30, s22;
	[tilespmem:v14+s14+$0x0] =	vst.idx.msk vm1, v9  }
0x96: {  	v14 =	vtrunc.f32 v20;
	v20 =	vtrunc.f32 v22;
	[tilespmem:v13+s13+$0x0] =	vst.idx.msk vm0, v5;
	v5 =	vor.u32 s0, v2  }
0x97: {  	v17 =	vtrunc.f32 v17;
	v21 =	vtrunc.f32 v21;
	s22 =	sadd.s32 $0x40, s22;
	[tilespmem:v13+s14+$0x0] =	vst.idx.msk vm0, v5  }
0x98: {  	v6 =	vor.u32 s22, v2;
	v22 =	vtrunc.f32 v23;
	s0 =	sadd.s32 $0x10, s22;
	v13 =	vcvt.f32.s32 v11  }
0x99: {  	v12 =	vcvt.f32.s32 v12;
	v10 =	vcvt.f32.s32 v16;
	v5 =	vor.u32 s0, v2  }
0x9a: {  	v16 =	vcvt.f32.s32 v8;
	v8 =	vcvt.f32.s32 v15;
	v9 =	vshll.u32 v13, $0x3  }
0x9b: {  	v24 =	vcvt.f32.s32 v18;
	v23 =	vcvt.f32.s32 v19;
	v11 =	vand.u32 $0x7F, v13  }
0x9c: {  	v25 =	vshll.u32 v16, $0x11;
	v26 =	vcvt.f32.s32 v14;
	v20 =	vcvt.f32.s32 v20  }
0x9d: {  	v28 =	vcvt.f32.s32 v17;
	v21 =	vcvt.f32.s32 v21;
	v27 =	vshll.u32 v23, $0x8  }
0x9e: {  	vm1 =	vlt.u32 v12, $0x100;
	v22 =	vcvt.f32.s32 v22;
	vm0 =	vlt.u32 v13, $0x100  }
0x9f: {  	vm4 =	vlt.u32 v10, $0x100;
	vm5 =	vlt.u32 v8, $0x100;
	v13 =	vor.u32 v16, v23  }
0xa0: {  	v14 =	vor.u32 v20, v28;
	vm2 =	vlt.u32 v13, $0x200;
	v13 =	vor.u32 v24, v26  }
0xa1: {  	vm3 =	vmand vm2, vm0;
	vm0 =	vlt.u32 v13, $0x200;
	v13 =	vor.u32 v21, v22  }
0xa2: {  	v15 =	vmpcnt.ones.xlane vm3;
	vm2 =	vmand vm0, vm1;
	vm0 =	vlt.u32 v14, $0x200  }
0xa3: {  	v14 =	vmpcnt.ones.xlane vm2;
	vm1 =	vmand vm0, vm4;
	vm0 =	vlt.u32 v13, $0x200  }
0xa4: {  	v15 =	vadd.s32 v7, v15;
	v7 =	vmpcnt.ones.xlane vm1;
	vm0 =	vmand vm0, vm5  }
0xa5: {  	v18 =	vsel vm3, $0x1, v1;
	v14 =	vadd.s32 v15, v14;
	v29 =	vmpcnt.ones.xlane vm0  }
0xa6: {  	v19 =	vsel vm2, $0x1, v1;
	v16 =	vsel vm1, $0x1, v1;
	v13 =	vadd.s32 v14, v7;
	(xrf0) =	vadd.scan.msk.s32 $0xffff, v18  }
0xa7: {  	v30 =	vshll.u32 v26, $0x8;
	v17 =	vsel vm0, $0x1, v1;
	v7 =	vadd.s32 v13, v29;
	(xrf0) =	vadd.scan.msk.s32 $0xffff, v19  }
0xa8: {  	v27 =	vand.u32 $0xFFFFF800, v27;
	v31 =	vshll.u32 v22, $0x8;
	v29 =	vshll.u32 v28, $0x8;
	(xrf0) =	vadd.scan.msk.s32 $0xffff, v16  }
.Ltmp6:
0xa9: {  	v30 =	vand.u32 $0xFFFFF800, v30;
	v31 =	vand.u32 $0xFFFFF800, v31;
	v32 =	vand.u32 $0xFFFFF800, v29;
	(xrf0) =	vadd.scan.msk.s32 $0xffff, v17;
	(pc) =	sbr.rel @p0 .LBB2_7-.Ltmp6, $4  }
0xaa: {  	v24 =	vshll.u32 v24, $0x11;
	v29 =	vshll.u32 v23, $0x7;
	v23 =	vshll.u32 v26, $0x7  }
0xab: {  	v33 =	vshll.u32 v21, $0x11;
	v20 =	vshll.u32 v20, $0x11;
	v26 =	vshll.u32 v28, $0x7  }
0xac: {  	v25 =	vadd.s32 v25, v27;
	v24 =	vadd.s32 v24, v30;
	v28 =	vshll.u32 v22, $0x7;
	v21, _, _ =	vpop (xrf0)  }
0xad: {  	s26 =	sadd.s32 $0x40, s26;
	v29 =	vand.u32 $0x380, v29;
	v27 =	vadd.s32 v20, v32;
	v20 =	vadd.s32 v33, v31;
	v22, _, _ =	vpop (xrf0)  }
0xae: {  	v7 =	vxor.u32 $0x80000000, v7  }
0xaf: {  	(xrf0) =	vmax.scan.msk.u32 $0xffff, v7;
	_ =	sdelay $0x3  }
0xb0: {  	v49, _, _ =	vpop (xrf0)  }
0xb1: {  	v30, _, _ =	vpop (xrf0)  }
0xb2: {  	v31, _, _ =	vpop (xrf0)  }
0xb3: {  	(v2sf) =	vpush v31, $0xF  }
0xb4: {  	v23 =	vand.u32 $0x380, v23  }
0xb5: {  	v26 =	vand.u32 $0x380, v26;
	v18 =	vsub.s32 v21, v18;
	v25 =	vor.u32 v29, v25  }
0xb6: {  	v19 =	vsub.s32 v22, v19;
	v53 =	vshll.u32 v12, $0x3;
	v4 =	vadd.s32 v4, v18  }
0xb7: {  	v54 =	vand.u32 $0x7F, v12;
	v9 =	vand.u32 $0xFFFFFC00, v9;
	v55 =	vshll.u32 v10, $0x3  }
0xb8: {  	v58 =	vand.u32 $0x7F, v10;
	v15 =	vadd.s32 v15, v19;
	v7 =	vsub.s32 v49, v16  }
0xb9: {  	v51 =	vor.u32 v23, v24;
	v11 =	vor.u32 v11, v25;
	v7 =	vadd.s32 v14, v7  }
0xba: {  	v52 =	vor.u32 v26, v27;
	v9 =	vadd.s32 v9, v11;
	v56 =	vsub.s32 v30, v17  }
0xbb: {  	v57 =	vand.u32 $0xFFFFFC00, v53;
	v12 =	vor.u32 v54, v51;
	v59 =	vadd.s32 v13, v56;
	[tilespmem:v4+s13+$0x0] =	vst.idx.msk vm3, v9  }
0xbc: {  	v61 =	vand.u32 $0xFFFFFC00, v55;
	v9 =	vor.u32 v58, v52;
	[tilespmem:v4+s14+$0x0] =	vst.idx.msk vm3, v6;
	v4 =	vadd.s32 v57, v12  }
0xbd: {  	v50 =	vand.u32 $0x380, v28;
	v9 =	vadd.s32 v61, v9;
	[tilespmem:v15+s13+$0x0] =	vst.idx.msk vm2, v4  }
0xbe: {  	v62 =	vand.u32 $0x7F, v8;
	s0 =	sadd.s32 $0x20, s22;
	v60 =	vor.u32 v50, v20;
	v4 =	vshll.u32 v8, $0x3;
	[tilespmem:v7+s13+$0x0] =	vst.idx.msk vm1, v9  }
0xbf: {  	p1 =	por $0x0, $0x0;
	s25 =	simm.s32 $0x1;
	v63 =	vor.u32 s0, v2;
	[tilespmem:v15+s14+$0x0] =	vst.idx.msk vm2, v5;
	v5 =	vor.u32 v62, v60;
	v4 =	vand.u32 $0xFFFFFC00, v4  }
0xc0: {  	s30 =	sadd.s32 $0x30, s22;
	s25 =	simm.s32 @!p1 $0x0;
	[tilespmem:v7+s14+$0x0] =	vst.idx.msk vm1, v63;
	v4 =	vadd.s32 v4, v5  }
0xc1: {  	p0 =	seq.s32 s20, $0x0;
	s24 =	simm.s32 $0x0;
	s31 =	sshll.u32 s25, $0x6;
	[tilespmem:v59+s13+$0x0] =	vst.idx.msk vm0, v4;
	v4 =	vor.u32 s30, v2  }
0xc2: {  	s0 =	simm.s32 @!p0 $0x3;
	s25 =	sadd.s32 $0x0, s31;
	[tilespmem:v59+s14+$0x0] =	vst.idx.msk vm0, v4;
	s23 =	spop (v2sf)  }
0xc3: {  	s26 =	simm.s32 $0x0;
	s29 =	sor.u32 $0x180, s25;
	_ =	swait.ge @!p0 [sflag:s0], $0x8000  }
0xc4: {  	s28 =	sor.u32 $0x1A0, s25;
	s22 =	sxor.u32 $0x80000000, s23;
	[sflag:s0] =	ssyncset.done @!p0 $0x0  }
0xc5: {  	[sflag:s0] =	ssyncadd.s32 @!p0 $0xFFFF8000;
	p0 =	por !p1, !p1;
	s0 =	sor.u32 $0x190, s25  }
.LBB2_9:
0xc6: {  	s26 =	sadd.s32 $0x4, s26  }
0xc7: {  	[tilespmem:s29+$0xC100] =	vst v3;
	s25 =	sor.u32 $0x1B0, s25;
	s24 =	sadd.s32 $0x100, s24;
	p1 =	slt.u32 s26, $0x1FC  }
.Ltmp7:
0xc8: {  	[tilespmem:s28+$0xC100] =	vst v3;
	s28 =	simm.s32 $0x1;
	(pc) =	sbr.rel @p1 .LBB2_9-.Ltmp7, $4  }
0xc9: {  	s28 =	simm.s32 @!p0 $0x0;
	[tilespmem:s25+$0xC100] =	vst v3  }
0xca: {  	s25 =	sshll.u32 s28, $0x6;
	[tilespmem:s0+$0xC100] =	vst v3  }
0xcb: {  	p0 =	por !p0, !p0;
	s25 =	sadd.s32 s25, s24  }
0xcc: {  	s29 =	sor.u32 $0x180, s25;
	s0 =	sor.u32 $0x190, s25;
	s28 =	sor.u32 $0x1A0, s25  }
0xcd: {  	s24 =	sadd.s32 $0x800001FF, s23  }
0xce: {  	s26 =	sand.u32 $0x1FF, s24  }
0xcf: {  	s31 =	sshra.s32 s24, $0x1F;
	p1 =	slt.s32 s24, $0x1;
	p0 =	sne.s32 s26, $0x0  }
0xd0: {  	s26 =	sshrl.u32 s31, $0x17;
	p0 =	por !p1, !p0  }
0xd1: {  	s24 =	sadd.s32 s26, s24;
	s26 =	simm.s32 $0x1;
	p0 =	por !p0, !p0  }
0xd2: {  	s24 =	sshra.s32 s24, $0x9;
	s26 =	simm.s32 @!p0 $0x0  }
0xd3: {  	s24 =	ssub.s32 s24, s26  }
0xd4: {  	p0 =	slt.s32 s24, $0x1  }
.Ltmp8:
0xd5: {  	_ = 	snop;
	(pc) =	sbr.rel @p0 .LBB2_16-.Ltmp8, $4  }
0xd6: {  	[tilespmem:s29+$0xC100] =	vst v3  }
0xd7: {  	[tilespmem:s28+$0xC100] =	vst v3  }
0xd8: {  	s25 =	sor.u32 $0x1B0, s25;
	[tilespmem:s0+$0xC100] =	vst v3  }
0xd9: {  	[tilespmem:s25+$0xC100] =	vst v3  }
0xda: {  	p0 =	sne.s32 s24, $0x1  }
.Ltmp9:
0xdb: {  	_ = 	snop;
	(pc) =	sbr.rel @!p0 .LBB2_13-.Ltmp9, $3  }
0xdc: {  	_ =	sdelay $0x1  }
0xdd: {  	s0 =	simm.s32 $0xA100;
	s25 =	simm.s32 $0x6000;
	s26 =	sadd.s32 $0xFFFFFFFF, s24  }
0xde: {  	[tilespmem:s0], [sflag:$0x1] =	stream.indirect.gather [hbm4b:s2+s16], $0x1, s25, s16, $0xb8;
	[tilespmem:$0x14100] =	vst v63  }
.LBB2_12:
0xdf: {  	p1 =	sne.s32 s26, $0x1  }
.Ltmp10:
0xe0: {  	_ = 	snop;
	(pc) =	sbr.rel @p1 .LBB2_12-.Ltmp10, $4  }
0xe1: {  	_ = 	snop  }
0xe2: {  	s0 =	sadd.s32 $0x200, s0;
	s25 =	sadd.s32 $0x200, s25  }
0xe3: {  	s26 =	sadd.s32 $0xFFFFFFFF, s26  }
0xe4: {  	[tilespmem:s0], [sflag:$0x1] =	stream.indirect.gather [hbm4b:s2+s16], $0x1, s25, s16, $0xb8;
	[tilespmem:$0x14100] =	vst v63  }
.LBB2_13:
.Ltmp11:
0xe5: {  	(pc) =	sbr.rel @!p0 .LBB2_15-.Ltmp11, $3  }
0xe6: {  	_ =	sdelay $0x1  }
0xe7: {  	_ =	swait.ge [sflag:s15], $0x200  }
0xe8: {  	s0 =	sadd.s32 $0xFFFFFFFF, s24;
	[sflag:s15] =	ssyncset.done $0x0  }
.LBB2_14:
0xe9: {  	p0 =	sne.s32 s0, $0x1;
	s0 =	sadd.s32 $0xFFFFFFFF, s0;
	[sflag:s15] =	ssyncadd.s32 $0xFFFFFE00  }
.Ltmp12:
0xea: {  	(pc) =	sbr.rel @p0 .LBB2_14-.Ltmp12, $3  }
0xeb: {  	_ =	sdelay $0x1  }
0xec: {  	_ =	swait.ge [sflag:s15], $0x200  }
0xed: {  	[sflag:s15] =	ssyncset.done $0x0  }
.LBB2_15:
0xee: {  	[sflag:s15] =	ssyncadd.s32 $0xFFFFFE00  }
.LBB2_16:
0xef: {  	s0 =	sadd.s32 $0x8000000F, s23  }
0xf0: {  	s23 =	sshra.s32 s0, $0x4;
	s0 =	sshrl.u32 s0, $0x1F  }
0xf1: {  	s0 =	sadd.s32 s0, s23  }
0xf2: {  	s24 =	sand.u32 $0xFFFFFFFE, s0  }
0xf3: {  	p0 =	slt.s32 s24, $0x1  }
.Ltmp13:
0xf4: {  	_ = 	snop;
	(pc) =	sbr.rel @p0 .LBB2_26-.Ltmp13, $1  }
0xf5: {  	_ =	sdelay $0x3  }
0xf6: {  	s0 =	simm.s32 $0x8090  }
0xf7: {  	p2 =	sgt.s32 s24, $0x2;
	v12 =	vld [tilespmem:s0+$0x0]  }
.Ltmp14:
0xf8: {  	v15 =	vld [tilespmem:s0+$0xFFFFFFF0];
	(pc) =	sbr.rel @!p2 .LBB2_18-.Ltmp14, $3  }
0xf9: {  	_ =	sdelay $0x1  }
0xfa: {  	s25 =	simm.s32 $0xA110  }
0xfb: {  	v4 =	vmov s22;
	s26 =	simm.s32 $0x10;
	p0 =	por $0x0, $0x0;
	p1 =	por $0x0, $0x0  }
0xfc: {  	p2 =	sgt.s32 s24, $0x4  }
.Ltmp15:
0xfd: {  	s0 =	simm.s32 $0x80B0;
	(pc) =	sbr.rel @!p2 .LBB2_20-.Ltmp15, $4  }
0xfe: {  	v11 =	vld [tilespmem:s0+$0x0]  }
0xff: {  	v5 =	vshll.u32 v12, $0x2;
	v7 =	vand.u32 $0x7F, v12;
	v12 =	vld [tilespmem:s0+$0xFFFFFFF0]  }
0x100: {  	v9 =	vor.u32 s26, v2;
	v6 =	vshll.u32 v15, $0x2;
	v5 =	vand.u32 $0xFFFFFE00, v5  }
0x101: {  	s30 =	simm.s32 $0x0;
	v13 =	vand.u32 $0x7F, v15;
	p0 =	por $0x1, $0x1;
	v14 =	vand.u32 $0xFFFFFE00, v6;
	v10 =	vor.u32 v5, v7  }
0x102: {  	p2 =	sgt.s32 s24, $0x6  }
.Ltmp16:
0x103: {  	v5 =	vor.u32 s30, v2;
	vm0 =	vlt.s32 v9, v4;
	(pc) =	sbr.rel @!p2 .LBB2_22-.Ltmp16, $4  }
0x104: {  	v6 =	vor.u32 v14, v13;
	s28 =	simm.s32 $0x30;
	v7 =	vor.u32 $0x180, v10;
	vm1 =	vlt.s32 v5, v4;
	v5 =	vld [tilespmem:s25+$0x0]  }
0x105: {  	v8 =	vld [tilespmem:s25+$0xFFFFFFF0];
	s31 =	simm.s32 $0x80D0;
	v6 =	vor.u32 $0x180, v6;
	v9 =	vor.u32 s28, v2;
	v10 =	vshll.u32 v11, $0x2  }
0x106: {  	s0 =	simm.s32 $0x6;
	v15 =	vld [tilespmem:s31+$0x0];
	v11 =	vand.u32 $0x7F, v11;
	v14 =	vshll.u32 v12, $0x2;
	v10 =	vand.u32 $0xFFFFFE00, v10  }
0x107: {  	s30 =	simm.s32 $0x20;
	p1 =	por $0x1, $0x1;
	s29 =	simm.s32 $0xA110;
	v16 =	vld [tilespmem:s31+$0xFFFFFFF0];
	v13 =	vand.u32 $0x7F, v12;
	v14 =	vand.u32 $0xFFFFFE00, v14;
	v10 =	vor.u32 v10, v11  }
.LBB2_23:
0x108: {  	s0 =	sadd.s32 $0x2, s0  }
0x109: {  	v11 =	vor.u32 s30, v2;
	v12 =	vor.u32 v14, v13;
	[tilespmem:v7+s17+$0x0] =	vst.idx.msk vm0, v5;
	vm0 =	vlt.s32 v9, v4;
	s29 =	sadd.s32 $0x20, s29;
	p2 =	slt.s32 s0, s24  }
.Ltmp17:
0x10a: {  	v7 =	vor.u32 $0x180, v10;
	v5 =	vld [tilespmem:s29+$0x0];
	[tilespmem:v6+s17+$0x0] =	vst.idx.msk vm1, v8;
	v6 =	vor.u32 $0x180, v12;
	vm1 =	vlt.s32 v11, v4;
	(pc) =	sbr.rel @p2 .LBB2_23-.Ltmp17, $4  }
0x10b: {  	s28 =	sadd.s32 $0x20, s28;
	v8 =	vld [tilespmem:s29+$0xFFFFFFF0]  }
0x10c: {  	s31 =	sadd.s32 $0x20, s31;
	v9 =	vor.u32 s28, v2;
	v10 =	vshll.u32 v15, $0x2  }
0x10d: {  	s30 =	sadd.s32 $0xFFFFFFF0, s28;
	v12 =	vand.u32 $0x7F, v15;
	v11 =	vshll.u32 v16, $0x2;
	v15 =	vld [tilespmem:s31+$0x0];
	v10 =	vand.u32 $0xFFFFFE00, v10  }
0x10e: {  	v13 =	vand.u32 $0x7F, v16;
	v16 =	vld [tilespmem:s31+$0xFFFFFFF0];
	v14 =	vand.u32 $0xFFFFFE00, v11;
	v10 =	vor.u32 v10, v12  }
.Ltmp18:
0x10f: {  	_ = 	snop;
	(pc) =	sbr.rel .LBB2_25-.Ltmp18, $2  }
0x110: {  	_ =	sdelay $0x2  }
0x111: {  	v11 =	vmov v15;
	v12 =	vmov v16  }
.LBB2_20:
.Ltmp19:
0x112: {  	(pc) =	sbr.rel .LBB2_25-.Ltmp19, $2  }
0x113: {  	_ =	sdelay $0x2  }
0x114: {  	s29 =	simm.s32 $0xA110;
	s28 =	simm.s32 $0x10  }
.LBB2_22:
.Ltmp20:
0x115: {  	_ = 	snop;
	(pc) =	sbr.rel .LBB2_25-.Ltmp20, $2  }
0x116: {  	_ =	sdelay $0x2  }
0x117: {  	s29 =	simm.s32 $0xA110;
	v11 =	vmov v15;
	v12 =	vmov v16  }
.LBB2_28:
0x118: {  	_ =	sfence.sel $0x180000  }
0x119: {  	[bflag:$0x0] =	sbarrier.arrive $0xFFFF  }
0x11a: {  	_ =	strace $0x90000047  }
0x11b: {  	[bflag:$0x2] =	sbarrier.arrive $0xFFFF  }
0x11c: {  	p0 =	sne.s32 s5, $0x0;
	s0 =	rddreg [dreg:$0x3]  }
0x11d: {  	s0 =	sadd.s32 @!p0 $0x100000, s0  }
0x11e: {  	[sflag:s0] =	ssyncadd.tile.s32 @!p0 $0x1;
	_ =	shalt  }
.Lfunc_end2:
_tile_overlayer_lowered:
.L_overlay_start_2:
0x11f: {  	(tag) =	ssettag $0x2  }
0x120: {  	s0 =	rddreg [dreg:$0x0];
	s2 =	stileid.u32  }
0x121: {  	s1 =	rddreg [dreg:$0x1];
	p0 =	sne.s32 s2, $0x0  }
0x122: {  	s3 =	rddreg [dreg:$0x2];
	[bflag:$0x3] =	sbarrier.arrive $0xFFFF;
	s2 =	simm.s32 @!p0 $0x1C04  }
0x123: {  	[timem:s3], [sflag:s2] =	dma.local @!p0 [hbm:s0], s1  }
0x124: {  	s0 =	simm.s32 @!p0 $0x4  }
0x125: {  	_ =	swait.ge @!p0 [sflag:s0], s1  }
0x126: {  	s1 =	ssub.s32 @!p0 $0x0, s1;
	[sflag:s0] =	ssyncset.done @!p0 $0x0  }
0x127: {  	[sflag:s0] =	ssyncadd.s32 @!p0 s1  }
0x128: {  	[bflag:$0x3] =	sbarrier.arrive $0xFFFF  }
0x129: {  	_ =	shalt  }

</sc_bundles>
